<compile_context>
chip_gen: v7x
topology: tpu7x:2x2x1
jax: 0.10.2.dev20260603
libtpu: 0.0.44.dev20260713+nightly
codegen_flags: <defaults>
</compile_context>

<pallas_src>
import functools

import jax
import jax.numpy as jnp
from jax import lax
from jax.experimental import pallas as pl
from jax.experimental.pallas import tpu as pltpu
from jax.experimental.pallas import tpu_sc as plsc

_SC_INFO = plsc.get_sparse_core_info()
NC = _SC_INFO.num_cores
NS = _SC_INFO.num_subcores
NW = NC * NS
EB = 128


def _worker_id():
    return lax.axis_index("s") * NC + lax.axis_index("c")


def _sc_hist_body(chunks, rows_per_tile, d, dst_hbm, out_hbm, buf_v, idx_v, acc_sh):
    cid = lax.axis_index("c")
    sid = lax.axis_index("s")
    wid = _worker_id()
    n_blocks = rows_per_tile // EB

    def _fill(r, _):
        for l in range(d // 16):
            buf_v[r, pl.ds(l * 16, 16)] = jnp.zeros((16,), jnp.float32)
        return _
    lax.fori_loop(0, EB, _fill, None)
    for b in range(n_blocks):
        pltpu.sync_copy(buf_v, acc_sh.at[pl.ds(sid * rows_per_tile + b * EB, EB)])
    plsc.subcore_barrier()

    def _ones(r, _):
        for l in range(d // 16):
            buf_v[r, pl.ds(l * 16, 16)] = jnp.ones((16,), jnp.float32)
        return _
    lax.fori_loop(0, EB, _ones, None)

    def _step(j, _):
        pltpu.sync_copy(dst_hbm.at[wid, j], idx_v)
        pltpu.sync_copy(buf_v, acc_sh.at[idx_v], add=True)
        return _
    lax.fori_loop(0, chunks, _step, None)
    plsc.subcore_barrier()

    pltpu.sync_copy(acc_sh.at[pl.ds(sid * rows_per_tile, rows_per_tile)],
                    out_hbm.at[cid, pl.ds(sid * rows_per_tile, rows_per_tile)])


def _sc_scatter_body(chunks, rows_per_tile, d, h_hbm, src_hbm, dst_hbm, out_hbm,
                     rows0, sidx_all, didx_all, acc_sh, sem0):
    cid = lax.axis_index("c")
    sid = lax.axis_index("s")
    wid = _worker_id()
    n_blocks = rows_per_tile // EB

    def _zero(r, _):
        for l in range(d // 16):
            rows0[r, pl.ds(l * 16, 16)] = jnp.zeros((16,), jnp.float32)
        return _
    lax.fori_loop(0, EB, _zero, None)
    for b in range(n_blocks):
        pltpu.sync_copy(rows0, acc_sh.at[pl.ds(sid * rows_per_tile + b * EB, EB)])
    plsc.subcore_barrier()

    def _step(j, _):
        pltpu.sync_copy(src_hbm.at[wid, j], sidx_all)
        pltpu.sync_copy(dst_hbm.at[wid, j], didx_all)
        pltpu.async_copy(h_hbm.at[sidx_all], rows0, sem0).wait()
        pltpu.sync_copy(rows0, acc_sh.at[didx_all], add=True)
        return _
    lax.fori_loop(0, chunks, _step, None)
    plsc.subcore_barrier()

    pltpu.sync_copy(acc_sh.at[pl.ds(sid * rows_per_tile, rows_per_tile)],
                    out_hbm.at[cid, pl.ds(sid * rows_per_tile, rows_per_tile)])


def _tc1_body(x_ref, w_ref, degp_ref, out_ref):
    deg = degp_ref[0, :, 0:1] + degp_ref[1, :, 0:1] + 1.0
    dinv = lax.rsqrt(deg)
    h = jnp.dot(x_ref[...], w_ref[...], preferred_element_type=jnp.float32)
    out_ref[...] = h * dinv


def _tc2_body(aggp_ref, hp_ref, degp_ref, b_ref, w_ref, out_ref):
    deg = degp_ref[0, :, 0:1] + degp_ref[1, :, 0:1] + 1.0
    dinv = lax.rsqrt(deg)
    z = dinv * (aggp_ref[0] + aggp_ref[1] + hp_ref[...]) + b_ref[...]
    z = jnp.maximum(z, 0.0)
    out_ref[...] = jnp.dot(z, w_ref[...], preferred_element_type=jnp.float32) * dinv


def _tc3_body(n_nodes, aggp_ref, hp_ref, degp_ref, b_ref, wfc_ref, bfc_ref,
              out_ref, acc_ref):
    i = pl.program_id(0)
    ng = pl.num_programs(0)

    @pl.when(i == 0)
    def _():
        acc_ref[...] = jnp.zeros_like(acc_ref)

    deg = degp_ref[0, :, 0:1] + degp_ref[1, :, 0:1] + 1.0
    dinv = lax.rsqrt(deg)
    z = dinv * (aggp_ref[0] + aggp_ref[1] + hp_ref[...]) + b_ref[...]
    z = jnp.maximum(z, 0.0)
    acc_ref[...] += jnp.sum(z, axis=0, keepdims=True)

    @pl.when(i == ng - 1)
    def _():
        colmean = acc_ref[...] * (1.0 / n_nodes)
        y = jnp.dot(colmean, wfc_ref[...], preferred_element_type=jnp.float32)
        out_ref[...] = jax.nn.sigmoid(y + bfc_ref[...])


def _ceil_to(v, m):
    return (v + m - 1) // m * m


@jax.jit
def kernel(x, edge_index, W1, b1, W2, b2, W_fc, b_fc):
    n, d_in = x.shape
    d_hid = W1.shape[1]
    d_out = W2.shape[1]
    e = edge_index.shape[1]

    chunks = _ceil_to(e, NW * EB) // (NW * EB)
    e_pad = NW * chunks * EB
    ei = edge_index.astype(jnp.int32)
    src = jnp.concatenate([ei[0], jnp.zeros((e_pad - e,), jnp.int32)])
    dst = jnp.concatenate([ei[1], jnp.full((e_pad - e,), n, jnp.int32)])
    src = src.reshape(NW, chunks, EB)
    dst = dst.reshape(NW, chunks, EB)

    rows_per_tile = _ceil_to(n + 1, NS * EB) // NS
    acc_rows = NS * rows_per_tile

    mesh = plsc.VectorSubcoreMesh(core_axis_name="c", subcore_axis_name="s")
    hist = pl.kernel(
        functools.partial(_sc_hist_body, chunks, rows_per_tile, d_in),
        out_type=jax.ShapeDtypeStruct((NC, acc_rows, d_in), jnp.float32),
        mesh=mesh,
        scratch_types=[
            pltpu.VMEM((EB, d_in), jnp.float32),
            pltpu.VMEM((EB,), jnp.int32),
            pltpu.VMEM_SHARED((acc_rows, d_in), jnp.float32),
        ],
    )
    degp = hist(dst)

    def make_scatter(d):
        return pl.kernel(
            functools.partial(_sc_scatter_body, chunks, rows_per_tile, d),
            out_type=jax.ShapeDtypeStruct((NC, acc_rows, d), jnp.float32),
            mesh=mesh,
            scratch_types=[
                pltpu.VMEM((EB, d), jnp.float32),
                pltpu.VMEM((EB,), jnp.int32),
                pltpu.VMEM((EB,), jnp.int32),
                pltpu.VMEM_SHARED((acc_rows, d), jnp.float32),
                pltpu.SemaphoreType.DMA,
            ],
        )

    bn = 1000
    grid = (n // bn,)
    h1p = pl.pallas_call(
        _tc1_body,
        grid=grid,
        in_specs=[
            pl.BlockSpec((bn, d_in), lambda i: (i, 0)),
            pl.BlockSpec((d_in, d_hid), lambda i: (0, 0)),
            pl.BlockSpec((NC, bn, 128), lambda i: (0, i, 0)),
        ],
        out_specs=pl.BlockSpec((bn, d_hid), lambda i: (i, 0)),
        out_shape=jax.ShapeDtypeStruct((n, d_hid), jnp.float32),
    )(x, W1, degp)

    agg1 = make_scatter(d_hid)(h1p, src, dst)

    h2p = pl.pallas_call(
        _tc2_body,
        grid=grid,
        in_specs=[
            pl.BlockSpec((NC, bn, d_hid), lambda i: (0, i, 0)),
            pl.BlockSpec((bn, d_hid), lambda i: (i, 0)),
            pl.BlockSpec((NC, bn, 128), lambda i: (0, i, 0)),
            pl.BlockSpec((1, d_hid), lambda i: (0, 0)),
            pl.BlockSpec((d_hid, d_out), lambda i: (0, 0)),
        ],
        out_specs=pl.BlockSpec((bn, d_out), lambda i: (i, 0)),
        out_shape=jax.ShapeDtypeStruct((n, d_out), jnp.float32),
    )(agg1, h1p, degp, b1.reshape(1, d_hid), W2)

    agg2 = make_scatter(d_out)(h2p, src, dst)

    out = pl.pallas_call(
        functools.partial(_tc3_body, float(n)),
        grid=grid,
        in_specs=[
            pl.BlockSpec((NC, bn, d_out), lambda i: (0, i, 0)),
            pl.BlockSpec((bn, d_out), lambda i: (i, 0)),
            pl.BlockSpec((NC, bn, 128), lambda i: (0, i, 0)),
            pl.BlockSpec((1, d_out), lambda i: (0, 0)),
            pl.BlockSpec((d_out, 1), lambda i: (0, 0)),
            pl.BlockSpec((1, 1), lambda i: (0, 0)),
        ],
        out_specs=pl.BlockSpec((1, 1), lambda i: (0, 0)),
        out_shape=jax.ShapeDtypeStruct((1, 1), jnp.float32),
        scratch_shapes=[pltpu.VMEM((1, d_out), jnp.float32)],
    )(agg2, h2p, degp, b2.reshape(1, d_out), W_fc, b_fc.reshape(1, 1))

    return out

# --- scband reference (transcript-rebuilt; emitter-appended) ---
"""Pipeline reference for scband-gcn2-23691039605435 (READ-ONLY COPY).

The authoritative reference and input builder live on the scoring server;
editing this copy changes nothing except your own understanding.
"""

import jax, jax.numpy as jnp
import numpy as np

N_NODES = 10000


def gcn_conv(x, edge_index, W, b):
    n = x.shape[0]
    src = edge_index[0]
    dst = edge_index[1]
    # add self loops (PyG GCNConv default add_self_loops=True)
    loop = jnp.arange(n, dtype=edge_index.dtype)
    src = jnp.concatenate([src, loop])
    dst = jnp.concatenate([dst, loop])
    # symmetric normalization deg^-1/2 A_hat deg^-1/2
    deg = jnp.zeros((n,), dtype=x.dtype).at[dst].add(1.0)
    dinv = jnp.where(deg > 0, deg ** -0.5, 0.0)
    norm = dinv[src] * dinv[dst]
    h = x @ W
    msg = h[src] * norm[:, None]
    out = jnp.zeros((n, W.shape[1]), dtype=x.dtype).at[dst].add(msg)
    return out + b


def setup_inputs(seed: int = 0) -> dict:
    key = jax.random.key(seed)
    k_x, k_e, k_w1, k_w2, k_fc = jax.random.split(key, 5)
    n, d_in, d_hid, d_out = N_NODES, 128, 128, 128
    e = 320000
    x = jax.random.normal(k_x, (n, d_in), dtype=jnp.float32)
    edge_index = jax.random.randint(k_e, (2, e), 0, n, dtype=jnp.int64)
    s1 = 1.0 / np.sqrt(d_in)
    s2 = 1.0 / np.sqrt(d_hid)
    s3 = 1.0 / np.sqrt(d_out)
    W1 = jax.random.uniform(k_w1, (d_in, d_hid), jnp.float32, -s1, s1)
    b1 = jnp.zeros((d_hid,), jnp.float32)
    W2 = jax.random.uniform(k_w2, (d_hid, d_out), jnp.float32, -s2, s2)
    b2 = jnp.zeros((d_out,), jnp.float32)
    W_fc = jax.random.uniform(k_fc, (d_out, 1), jnp.float32, -s3, s3)
    b_fc = jnp.zeros((1,), jnp.float32)
    return {"x": x, "edge_index": edge_index, "W1": W1, "b1": b1, "W2": W2, "b2": b2, "W_fc": W_fc, "b_fc": b_fc}


def reference(x, edge_index, W1, b1, W2, b2, W_fc, b_fc):
    # dropout is identity in eval mode
    h = gcn_conv(x, edge_index, W1, b1)
    h = jax.nn.relu(h)
    h = gcn_conv(h, edge_index, W2, b2)
    h = jax.nn.relu(h)
    h = h @ W_fc + b_fc
    out = jnp.mean(h, axis=0, keepdims=True)
    return jax.nn.sigmoid(out)

if __name__ == "__main__":
    import jax
    _d = setup_inputs()
    print(jax.jit(kernel)(*tuple(_d.values())))

</pallas_src>

<mosaic_0001>
#map = affine_map<(d0, d1) -> (0, 0, 0)>
module attributes {stable_mosaic.version = 14 : i64} {
  func.func @_sc_hist_body(%arg0: i32, %arg1: i32, %arg2: memref<32x79x128xi32, #tpu.memory_space<hbm>>, %arg3: memref<2x10240x128xf32, #tpu.memory_space<hbm>>, %arg4: memref<128x128xf32, #tpu.memory_space<vmem>>, %arg5: memref<128xi32, #tpu.memory_space<vmem>>, %arg6: memref<10240x128xf32, #tpu.memory_space<vmem_shared>>) attributes {dimension_semantics = [#tpu.dimension_semantics<core_parallel>, #tpu.dimension_semantics<subcore_parallel>], iteration_bounds = array<i64: 2, 16>, scalar_prefetch = 0 : i64, scratch_operands = 3 : i64, tpu.core_type = #tpu.core_type<sc_vector_subcore>, window_params = [{transform_indices = #map}, {transform_indices = #map}]} {
    %mul3A = arith.constant 2 : i32
    %mul3A_0 = arith.muli %arg1, %mul3A : i32
    %add3A = arith.addi %mul3A_0, %arg0 : i32
    %scan3A = arith.constant 0 : i32
    %scan3A_1 = arith.constant 128 : i32
    %scan3A_2 = arith.addi %scan3A, %scan3A_1 : i32
    %scan3A_3 = arith.constant 1 : i32
    scf.for %scan3A_40 = %scan3A to %scan3A_2 step %scan3A_3  : i32 {
      %broadcast_in_dim3A = arith.constant 0.000000e+00 : f32
      %broadcast_in_dim3A_41 = vector.broadcast %broadcast_in_dim3A : f32 to vector<16xf32>
      %swap3A = arith.index_cast %scan3A_40 : i32 to index
      %swap3A_42 = arith.constant 0 : index
      %swap3A_43 = tpu.vector_load %arg4[%swap3A, %swap3A_42] {strides = array<i32>} : memref<128x128xf32, #tpu.memory_space<vmem>>, vector<1x16xf32>,
      %swap3A_44 = vector.shape_cast %swap3A_43 : vector<1x16xf32> to vector<16xf32>
      %swap3A_45 = vector.shape_cast %broadcast_in_dim3A_41 : vector<16xf32> to vector<1x16xf32>
      tpu.vector_store %arg4[%swap3A, %swap3A_42], %swap3A_45 {strides = array<i32>} : memref<128x128xf32, #tpu.memory_space<vmem>>, vector<1x16xf32>,
      %broadcast_in_dim3A_46 = arith.constant 0.000000e+00 : f32
      %broadcast_in_dim3A_47 = vector.broadcast %broadcast_in_dim3A_46 : f32 to vector<16xf32>
      %swap3A_48 = arith.index_cast %scan3A_40 : i32 to index
      %swap3A_49 = arith.constant 16 : index
      %swap3A_50 = tpu.vector_load %arg4[%swap3A_48, %swap3A_49] {strides = array<i32>} : memref<128x128xf32, #tpu.memory_space<vmem>>, vector<1x16xf32>,
      %swap3A_51 = vector.shape_cast %swap3A_50 : vector<1x16xf32> to vector<16xf32>
      %swap3A_52 = vector.shape_cast %broadcast_in_dim3A_47 : vector<16xf32> to vector<1x16xf32>
      tpu.vector_store %arg4[%swap3A_48, %swap3A_49], %swap3A_52 {strides = array<i32>} : memref<128x128xf32, #tpu.memory_space<vmem>>, vector<1x16xf32>,
      %broadcast_in_dim3A_53 = arith.constant 0.000000e+00 : f32
      %broadcast_in_dim3A_54 = vector.broadcast %broadcast_in_dim3A_53 : f32 to vector<16xf32>
      %swap3A_55 = arith.index_cast %scan3A_40 : i32 to index
      %swap3A_56 = arith.constant 32 : index
      %swap3A_57 = tpu.vector_load %arg4[%swap3A_55, %swap3A_56] {strides = array<i32>} : memref<128x128xf32, #tpu.memory_space<vmem>>, vector<1x16xf32>,
      %swap3A_58 = vector.shape_cast %swap3A_57 : vector<1x16xf32> to vector<16xf32>
      %swap3A_59 = vector.shape_cast %broadcast_in_dim3A_54 : vector<16xf32> to vector<1x16xf32>
      tpu.vector_store %arg4[%swap3A_55, %swap3A_56], %swap3A_59 {strides = array<i32>} : memref<128x128xf32, #tpu.memory_space<vmem>>, vector<1x16xf32>,
      %broadcast_in_dim3A_60 = arith.constant 0.000000e+00 : f32
      %broadcast_in_dim3A_61 = vector.broadcast %broadcast_in_dim3A_60 : f32 to vector<16xf32>
      %swap3A_62 = arith.index_cast %scan3A_40 : i32 to index
      %swap3A_63 = arith.constant 48 : index
      %swap3A_64 = tpu.vector_load %arg4[%swap3A_62, %swap3A_63] {strides = array<i32>} : memref<128x128xf32, #tpu.memory_space<vmem>>, vector<1x16xf32>,
      %swap3A_65 = vector.shape_cast %swap3A_64 : vector<1x16xf32> to vector<16xf32>
      %swap3A_66 = vector.shape_cast %broadcast_in_dim3A_61 : vector<16xf32> to vector<1x16xf32>
      tpu.vector_store %arg4[%swap3A_62, %swap3A_63], %swap3A_66 {strides = array<i32>} : memref<128x128xf32, #tpu.memory_space<vmem>>, vector<1x16xf32>,
      %broadcast_in_dim3A_67 = arith.constant 0.000000e+00 : f32
      %broadcast_in_dim3A_68 = vector.broadcast %broadcast_in_dim3A_67 : f32 to vector<16xf32>
      %swap3A_69 = arith.index_cast %scan3A_40 : i32 to index
      %swap3A_70 = arith.constant 64 : index
      %swap3A_71 = tpu.vector_load %arg4[%swap3A_69, %swap3A_70] {strides = array<i32>} : memref<128x128xf32, #tpu.memory_space<vmem>>, vector<1x16xf32>,
      %swap3A_72 = vector.shape_cast %swap3A_71 : vector<1x16xf32> to vector<16xf32>
      %swap3A_73 = vector.shape_cast %broadcast_in_dim3A_68 : vector<16xf32> to vector<1x16xf32>
      tpu.vector_store %arg4[%swap3A_69, %swap3A_70], %swap3A_73 {strides = array<i32>} : memref<128x128xf32, #tpu.memory_space<vmem>>, vector<1x16xf32>,
      %broadcast_in_dim3A_74 = arith.constant 0.000000e+00 : f32
      %broadcast_in_dim3A_75 = vector.broadcast %broadcast_in_dim3A_74 : f32 to vector<16xf32>
      %swap3A_76 = arith.index_cast %scan3A_40 : i32 to index
      %swap3A_77 = arith.constant 80 : index
      %swap3A_78 = tpu.vector_load %arg4[%swap3A_76, %swap3A_77] {strides = array<i32>} : memref<128x128xf32, #tpu.memory_space<vmem>>, vector<1x16xf32>,
      %swap3A_79 = vector.shape_cast %swap3A_78 : vector<1x16xf32> to vector<16xf32>
      %swap3A_80 = vector.shape_cast %broadcast_in_dim3A_75 : vector<16xf32> to vector<1x16xf32>
      tpu.vector_store %arg4[%swap3A_76, %swap3A_77], %swap3A_80 {strides = array<i32>} : memref<128x128xf32, #tpu.memory_space<vmem>>, vector<1x16xf32>,
      %broadcast_in_dim3A_81 = arith.constant 0.000000e+00 : f32
      %broadcast_in_dim3A_82 = vector.broadcast %broadcast_in_dim3A_81 : f32 to vector<16xf32>
      %swap3A_83 = arith.index_cast %scan3A_40 : i32 to index
      %swap3A_84 = arith.constant 96 : index
      %swap3A_85 = tpu.vector_load %arg4[%swap3A_83, %swap3A_84] {strides = array<i32>} : memref<128x128xf32, #tpu.memory_space<vmem>>, vector<1x16xf32>,
      %swap3A_86 = vector.shape_cast %swap3A_85 : vector<1x16xf32> to vector<16xf32>
      %swap3A_87 = vector.shape_cast %broadcast_in_dim3A_82 : vector<16xf32> to vector<1x16xf32>
      tpu.vector_store %arg4[%swap3A_83, %swap3A_84], %swap3A_87 {strides = array<i32>} : memref<128x128xf32, #tpu.memory_space<vmem>>, vector<1x16xf32>,
      %broadcast_in_dim3A_88 = arith.constant 0.000000e+00 : f32
      %broadcast_in_dim3A_89 = vector.broadcast %broadcast_in_dim3A_88 : f32 to vector<16xf32>
      %swap3A_90 = arith.index_cast %scan3A_40 : i32 to index
      %swap3A_91 = arith.constant 112 : index
      %swap3A_92 = tpu.vector_load %arg4[%swap3A_90, %swap3A_91] {strides = array<i32>} : memref<128x128xf32, #tpu.memory_space<vmem>>, vector<1x16xf32>,
      %swap3A_93 = vector.shape_cast %swap3A_92 : vector<1x16xf32> to vector<16xf32>
      %swap3A_94 = vector.shape_cast %broadcast_in_dim3A_89 : vector<16xf32> to vector<1x16xf32>
      tpu.vector_store %arg4[%swap3A_90, %swap3A_91], %swap3A_94 {strides = array<i32>} : memref<128x128xf32, #tpu.memory_space<vmem>>, vector<1x16xf32>,
    }
    %scan3A_4 = arith.constant 128 : i32
    %mul3A_5 = arith.constant 640 : i32
    %mul3A_6 = arith.muli %arg1, %mul3A_5 : i32
    %add3A_7 = arith.constant 0 : i32
    %add3A_8 = arith.addi %mul3A_6, %add3A_7 : i32
    "tpu.region"() ({
      %run_scoped3A = tpu.sem_alloc : memref<!tpu.dma_semaphore, #tpu.memory_space<semaphore_mem>>
      %dma_start3A = arith.constant 0 : i32
      %dma_start3A_40 = tpu.memref_slice %arg6[%add3A_8, %dma_start3A] : memref<10240x128xf32, #tpu.memory_space<vmem_shared>> -> memref<128x128xf32, #tpu.memory_space<vmem_shared>>
      %dma_start3A_41 = arith.constant 0 : i32
      %dma_start3A_42 = tpu.memref_slice %arg6[%add3A_8, %dma_start3A_41] : memref<10240x128xf32, #tpu.memory_space<vmem_shared>> -> memref<128x128xf32, #tpu.memory_space<vmem_shared>>
      tpu.enqueue_dma source(%arg4 : memref<128x128xf32, #tpu.memory_space<vmem>>) target(%dma_start3A_42 : memref<128x128xf32, #tpu.memory_space<vmem_shared>>) target_semaphore(%run_scoped3A : memref<!tpu.dma_semaphore, #tpu.memory_space<semaphore_mem>>)
      %dma_wait3A = arith.constant 0 : i32
      %dma_wait3A_43 = tpu.memref_slice %arg6[%add3A_8, %dma_wait3A] : memref<10240x128xf32, #tpu.memory_space<vmem_shared>> -> memref<128x128xf32, #tpu.memory_space<vmem_shared>>
      %dma_wait3A_44 = arith.constant 0 : i32
      %dma_wait3A_45 = tpu.memref_slice %arg6[%add3A_8, %dma_wait3A_44] : memref<10240x128xf32, #tpu.memory_space<vmem_shared>> -> memref<128x128xf32, #tpu.memory_space<vmem_shared>>
      tpu.wait_dma2 semaphore(%run_scoped3A : memref<!tpu.dma_semaphore, #tpu.memory_space<semaphore_mem>>) src(%arg4 : memref<128x128xf32, #tpu.memory_space<vmem>>) dst(%dma_wait3A_45 : memref<128x128xf32, #tpu.memory_space<vmem_shared>>)
      tpu.yield
    }) : () -> ()
    %mul3A_9 = arith.constant 640 : i32
    %mul3A_10 = arith.muli %arg1, %mul3A_9 : i32
    %add3A_11 = arith.constant 128 : i32
    %add3A_12 = arith.addi %mul3A_10, %add3A_11 : i32
    "tpu.region"() ({
      %run_scoped3A = tpu.sem_alloc : memref<!tpu.dma_semaphore, #tpu.memory_space<semaphore_mem>>
      %dma_start3A = arith.constant 0 : i32
      %dma_start3A_40 = tpu.memref_slice %arg6[%add3A_12, %dma_start3A] : memref<10240x128xf32, #tpu.memory_space<vmem_shared>> -> memref<128x128xf32, #tpu.memory_space<vmem_shared>>
      %dma_start3A_41 = arith.constant 0 : i32
      %dma_start3A_42 = tpu.memref_slice %arg6[%add3A_12, %dma_start3A_41] : memref<10240x128xf32, #tpu.memory_space<vmem_shared>> -> memref<128x128xf32, #tpu.memory_space<vmem_shared>>
      tpu.enqueue_dma source(%arg4 : memref<128x128xf32, #tpu.memory_space<vmem>>) target(%dma_start3A_42 : memref<128x128xf32, #tpu.memory_space<vmem_shared>>) target_semaphore(%run_scoped3A : memref<!tpu.dma_semaphore, #tpu.memory_space<semaphore_mem>>)
      %dma_wait3A = arith.constant 0 : i32
      %dma_wait3A_43 = tpu.memref_slice %arg6[%add3A_12, %dma_wait3A] : memref<10240x128xf32, #tpu.memory_space<vmem_shared>> -> memref<128x128xf32, #tpu.memory_space<vmem_shared>>
      %dma_wait3A_44 = arith.constant 0 : i32
      %dma_wait3A_45 = tpu.memref_slice %arg6[%add3A_12, %dma_wait3A_44] : memref<10240x128xf32, #tpu.memory_space<vmem_shared>> -> memref<128x128xf32, #tpu.memory_space<vmem_shared>>
      tpu.wait_dma2 semaphore(%run_scoped3A : memref<!tpu.dma_semaphore, #tpu.memory_space<semaphore_mem>>) src(%arg4 : memref<128x128xf32, #tpu.memory_space<vmem>>) dst(%dma_wait3A_45 : memref<128x128xf32, #tpu.memory_space<vmem_shared>>)
      tpu.yield
    }) : () -> ()
    %mul3A_13 = arith.constant 640 : i32
    %mul3A_14 = arith.muli %arg1, %mul3A_13 : i32
    %add3A_15 = arith.constant 256 : i32
    %add3A_16 = arith.addi %mul3A_14, %add3A_15 : i32
    "tpu.region"() ({
      %run_scoped3A = tpu.sem_alloc : memref<!tpu.dma_semaphore, #tpu.memory_space<semaphore_mem>>
      %dma_start3A = arith.constant 0 : i32
      %dma_start3A_40 = tpu.memref_slice %arg6[%add3A_16, %dma_start3A] : memref<10240x128xf32, #tpu.memory_space<vmem_shared>> -> memref<128x128xf32, #tpu.memory_space<vmem_shared>>
      %dma_start3A_41 = arith.constant 0 : i32
      %dma_start3A_42 = tpu.memref_slice %arg6[%add3A_16, %dma_start3A_41] : memref<10240x128xf32, #tpu.memory_space<vmem_shared>> -> memref<128x128xf32, #tpu.memory_space<vmem_shared>>
      tpu.enqueue_dma source(%arg4 : memref<128x128xf32, #tpu.memory_space<vmem>>) target(%dma_start3A_42 : memref<128x128xf32, #tpu.memory_space<vmem_shared>>) target_semaphore(%run_scoped3A : memref<!tpu.dma_semaphore, #tpu.memory_space<semaphore_mem>>)
      %dma_wait3A = arith.constant 0 : i32
      %dma_wait3A_43 = tpu.memref_slice %arg6[%add3A_16, %dma_wait3A] : memref<10240x128xf32, #tpu.memory_space<vmem_shared>> -> memref<128x128xf32, #tpu.memory_space<vmem_shared>>
      %dma_wait3A_44 = arith.constant 0 : i32
      %dma_wait3A_45 = tpu.memref_slice %arg6[%add3A_16, %dma_wait3A_44] : memref<10240x128xf32, #tpu.memory_space<vmem_shared>> -> memref<128x128xf32, #tpu.memory_space<vmem_shared>>
      tpu.wait_dma2 semaphore(%run_scoped3A : memref<!tpu.dma_semaphore, #tpu.memory_space<semaphore_mem>>) src(%arg4 : memref<128x128xf32, #tpu.memory_space<vmem>>) dst(%dma_wait3A_45 : memref<128x128xf32, #tpu.memory_space<vmem_shared>>)
      tpu.yield
    }) : () -> ()
    %mul3A_17 = arith.constant 640 : i32
    %mul3A_18 = arith.muli %arg1, %mul3A_17 : i32
    %add3A_19 = arith.constant 384 : i32
    %add3A_20 = arith.addi %mul3A_18, %add3A_19 : i32
    "tpu.region"() ({
      %run_scoped3A = tpu.sem_alloc : memref<!tpu.dma_semaphore, #tpu.memory_space<semaphore_mem>>
      %dma_start3A = arith.constant 0 : i32
      %dma_start3A_40 = tpu.memref_slice %arg6[%add3A_20, %dma_start3A] : memref<10240x128xf32, #tpu.memory_space<vmem_shared>> -> memref<128x128xf32, #tpu.memory_space<vmem_shared>>
      %dma_start3A_41 = arith.constant 0 : i32
      %dma_start3A_42 = tpu.memref_slice %arg6[%add3A_20, %dma_start3A_41] : memref<10240x128xf32, #tpu.memory_space<vmem_shared>> -> memref<128x128xf32, #tpu.memory_space<vmem_shared>>
      tpu.enqueue_dma source(%arg4 : memref<128x128xf32, #tpu.memory_space<vmem>>) target(%dma_start3A_42 : memref<128x128xf32, #tpu.memory_space<vmem_shared>>) target_semaphore(%run_scoped3A : memref<!tpu.dma_semaphore, #tpu.memory_space<semaphore_mem>>)
      %dma_wait3A = arith.constant 0 : i32
      %dma_wait3A_43 = tpu.memref_slice %arg6[%add3A_20, %dma_wait3A] : memref<10240x128xf32, #tpu.memory_space<vmem_shared>> -> memref<128x128xf32, #tpu.memory_space<vmem_shared>>
      %dma_wait3A_44 = arith.constant 0 : i32
      %dma_wait3A_45 = tpu.memref_slice %arg6[%add3A_20, %dma_wait3A_44] : memref<10240x128xf32, #tpu.memory_space<vmem_shared>> -> memref<128x128xf32, #tpu.memory_space<vmem_shared>>
      tpu.wait_dma2 semaphore(%run_scoped3A : memref<!tpu.dma_semaphore, #tpu.memory_space<semaphore_mem>>) src(%arg4 : memref<128x128xf32, #tpu.memory_space<vmem>>) dst(%dma_wait3A_45 : memref<128x128xf32, #tpu.memory_space<vmem_shared>>)
      tpu.yield
    }) : () -> ()
    %mul3A_21 = arith.constant 640 : i32
    %mul3A_22 = arith.muli %arg1, %mul3A_21 : i32
    %add3A_23 = arith.constant 512 : i32
    %add3A_24 = arith.addi %mul3A_22, %add3A_23 : i32
    "tpu.region"() ({
      %run_scoped3A = tpu.sem_alloc : memref<!tpu.dma_semaphore, #tpu.memory_space<semaphore_mem>>
      %dma_start3A = arith.constant 0 : i32
      %dma_start3A_40 = tpu.memref_slice %arg6[%add3A_24, %dma_start3A] : memref<10240x128xf32, #tpu.memory_space<vmem_shared>> -> memref<128x128xf32, #tpu.memory_space<vmem_shared>>
      %dma_start3A_41 = arith.constant 0 : i32
      %dma_start3A_42 = tpu.memref_slice %arg6[%add3A_24, %dma_start3A_41] : memref<10240x128xf32, #tpu.memory_space<vmem_shared>> -> memref<128x128xf32, #tpu.memory_space<vmem_shared>>
      tpu.enqueue_dma source(%arg4 : memref<128x128xf32, #tpu.memory_space<vmem>>) target(%dma_start3A_42 : memref<128x128xf32, #tpu.memory_space<vmem_shared>>) target_semaphore(%run_scoped3A : memref<!tpu.dma_semaphore, #tpu.memory_space<semaphore_mem>>)
      %dma_wait3A = arith.constant 0 : i32
      %dma_wait3A_43 = tpu.memref_slice %arg6[%add3A_24, %dma_wait3A] : memref<10240x128xf32, #tpu.memory_space<vmem_shared>> -> memref<128x128xf32, #tpu.memory_space<vmem_shared>>
      %dma_wait3A_44 = arith.constant 0 : i32
      %dma_wait3A_45 = tpu.memref_slice %arg6[%add3A_24, %dma_wait3A_44] : memref<10240x128xf32, #tpu.memory_space<vmem_shared>> -> memref<128x128xf32, #tpu.memory_space<vmem_shared>>
      tpu.wait_dma2 semaphore(%run_scoped3A : memref<!tpu.dma_semaphore, #tpu.memory_space<semaphore_mem>>) src(%arg4 : memref<128x128xf32, #tpu.memory_space<vmem>>) dst(%dma_wait3A_45 : memref<128x128xf32, #tpu.memory_space<vmem_shared>>)
      tpu.yield
    }) : () -> ()
    %barrier3A = arith.constant 0 : index
    tpu.barrier barrier_id(%barrier3A)
    %scan3A_25 = arith.constant 0 : i32
    %scan3A_26 = arith.constant 128 : i32
    %scan3A_27 = arith.addi %scan3A_25, %scan3A_26 : i32
    %scan3A_28 = arith.constant 1 : i32
    scf.for %scan3A_40 = %scan3A_25 to %scan3A_27 step %scan3A_28  : i32 {
      %broadcast_in_dim3A = arith.constant 1.000000e+00 : f32
      %broadcast_in_dim3A_41 = vector.broadcast %broadcast_in_dim3A : f32 to vector<16xf32>
      %swap3A = arith.index_cast %scan3A_40 : i32 to index
      %swap3A_42 = arith.constant 0 : index
      %swap3A_43 = tpu.vector_load %arg4[%swap3A, %swap3A_42] {strides = array<i32>} : memref<128x128xf32, #tpu.memory_space<vmem>>, vector<1x16xf32>,
      %swap3A_44 = vector.shape_cast %swap3A_43 : vector<1x16xf32> to vector<16xf32>
      %swap3A_45 = vector.shape_cast %broadcast_in_dim3A_41 : vector<16xf32> to vector<1x16xf32>
      tpu.vector_store %arg4[%swap3A, %swap3A_42], %swap3A_45 {strides = array<i32>} : memref<128x128xf32, #tpu.memory_space<vmem>>, vector<1x16xf32>,
      %broadcast_in_dim3A_46 = arith.constant 1.000000e+00 : f32
      %broadcast_in_dim3A_47 = vector.broadcast %broadcast_in_dim3A_46 : f32 to vector<16xf32>
      %swap3A_48 = arith.index_cast %scan3A_40 : i32 to index
      %swap3A_49 = arith.constant 16 : index
      %swap3A_50 = tpu.vector_load %arg4[%swap3A_48, %swap3A_49] {strides = array<i32>} : memref<128x128xf32, #tpu.memory_space<vmem>>, vector<1x16xf32>,
      %swap3A_51 = vector.shape_cast %swap3A_50 : vector<1x16xf32> to vector<16xf32>
      %swap3A_52 = vector.shape_cast %broadcast_in_dim3A_47 : vector<16xf32> to vector<1x16xf32>
      tpu.vector_store %arg4[%swap3A_48, %swap3A_49], %swap3A_52 {strides = array<i32>} : memref<128x128xf32, #tpu.memory_space<vmem>>, vector<1x16xf32>,
      %broadcast_in_dim3A_53 = arith.constant 1.000000e+00 : f32
      %broadcast_in_dim3A_54 = vector.broadcast %broadcast_in_dim3A_53 : f32 to vector<16xf32>
      %swap3A_55 = arith.index_cast %scan3A_40 : i32 to index
      %swap3A_56 = arith.constant 32 : index
      %swap3A_57 = tpu.vector_load %arg4[%swap3A_55, %swap3A_56] {strides = array<i32>} : memref<128x128xf32, #tpu.memory_space<vmem>>, vector<1x16xf32>,
      %swap3A_58 = vector.shape_cast %swap3A_57 : vector<1x16xf32> to vector<16xf32>
      %swap3A_59 = vector.shape_cast %broadcast_in_dim3A_54 : vector<16xf32> to vector<1x16xf32>
      tpu.vector_store %arg4[%swap3A_55, %swap3A_56], %swap3A_59 {strides = array<i32>} : memref<128x128xf32, #tpu.memory_space<vmem>>, vector<1x16xf32>,
      %broadcast_in_dim3A_60 = arith.constant 1.000000e+00 : f32
      %broadcast_in_dim3A_61 = vector.broadcast %broadcast_in_dim3A_60 : f32 to vector<16xf32>
      %swap3A_62 = arith.index_cast %scan3A_40 : i32 to index
      %swap3A_63 = arith.constant 48 : index
      %swap3A_64 = tpu.vector_load %arg4[%swap3A_62, %swap3A_63] {strides = array<i32>} : memref<128x128xf32, #tpu.memory_space<vmem>>, vector<1x16xf32>,
      %swap3A_65 = vector.shape_cast %swap3A_64 : vector<1x16xf32> to vector<16xf32>
      %swap3A_66 = vector.shape_cast %broadcast_in_dim3A_61 : vector<16xf32> to vector<1x16xf32>
      tpu.vector_store %arg4[%swap3A_62, %swap3A_63], %swap3A_66 {strides = array<i32>} : memref<128x128xf32, #tpu.memory_space<vmem>>, vector<1x16xf32>,
      %broadcast_in_dim3A_67 = arith.constant 1.000000e+00 : f32
      %broadcast_in_dim3A_68 = vector.broadcast %broadcast_in_dim3A_67 : f32 to vector<16xf32>
      %swap3A_69 = arith.index_cast %scan3A_40 : i32 to index
      %swap3A_70 = arith.constant 64 : index
      %swap3A_71 = tpu.vector_load %arg4[%swap3A_69, %swap3A_70] {strides = array<i32>} : memref<128x128xf32, #tpu.memory_space<vmem>>, vector<1x16xf32>,
      %swap3A_72 = vector.shape_cast %swap3A_71 : vector<1x16xf32> to vector<16xf32>
      %swap3A_73 = vector.shape_cast %broadcast_in_dim3A_68 : vector<16xf32> to vector<1x16xf32>
      tpu.vector_store %arg4[%swap3A_69, %swap3A_70], %swap3A_73 {strides = array<i32>} : memref<128x128xf32, #tpu.memory_space<vmem>>, vector<1x16xf32>,
      %broadcast_in_dim3A_74 = arith.constant 1.000000e+00 : f32
      %broadcast_in_dim3A_75 = vector.broadcast %broadcast_in_dim3A_74 : f32 to vector<16xf32>
      %swap3A_76 = arith.index_cast %scan3A_40 : i32 to index
      %swap3A_77 = arith.constant 80 : index
      %swap3A_78 = tpu.vector_load %arg4[%swap3A_76, %swap3A_77] {strides = array<i32>} : memref<128x128xf32, #tpu.memory_space<vmem>>, vector<1x16xf32>,
      %swap3A_79 = vector.shape_cast %swap3A_78 : vector<1x16xf32> to vector<16xf32>
      %swap3A_80 = vector.shape_cast %broadcast_in_dim3A_75 : vector<16xf32> to vector<1x16xf32>
      tpu.vector_store %arg4[%swap3A_76, %swap3A_77], %swap3A_80 {strides = array<i32>} : memref<128x128xf32, #tpu.memory_space<vmem>>, vector<1x16xf32>,
      %broadcast_in_dim3A_81 = arith.constant 1.000000e+00 : f32
      %broadcast_in_dim3A_82 = vector.broadcast %broadcast_in_dim3A_81 : f32 to vector<16xf32>
      %swap3A_83 = arith.index_cast %scan3A_40 : i32 to index
      %swap3A_84 = arith.constant 96 : index
      %swap3A_85 = tpu.vector_load %arg4[%swap3A_83, %swap3A_84] {strides = array<i32>} : memref<128x128xf32, #tpu.memory_space<vmem>>, vector<1x16xf32>,
      %swap3A_86 = vector.shape_cast %swap3A_85 : vector<1x16xf32> to vector<16xf32>
      %swap3A_87 = vector.shape_cast %broadcast_in_dim3A_82 : vector<16xf32> to vector<1x16xf32>
      tpu.vector_store %arg4[%swap3A_83, %swap3A_84], %swap3A_87 {strides = array<i32>} : memref<128x128xf32, #tpu.memory_space<vmem>>, vector<1x16xf32>,
      %broadcast_in_dim3A_88 = arith.constant 1.000000e+00 : f32
      %broadcast_in_dim3A_89 = vector.broadcast %broadcast_in_dim3A_88 : f32 to vector<16xf32>
      %swap3A_90 = arith.index_cast %scan3A_40 : i32 to index
      %swap3A_91 = arith.constant 112 : index
      %swap3A_92 = tpu.vector_load %arg4[%swap3A_90, %swap3A_91] {strides = array<i32>} : memref<128x128xf32, #tpu.memory_space<vmem>>, vector<1x16xf32>,
      %swap3A_93 = vector.shape_cast %swap3A_92 : vector<1x16xf32> to vector<16xf32>
      %swap3A_94 = vector.shape_cast %broadcast_in_dim3A_89 : vector<16xf32> to vector<1x16xf32>
      tpu.vector_store %arg4[%swap3A_90, %swap3A_91], %swap3A_94 {strides = array<i32>} : memref<128x128xf32, #tpu.memory_space<vmem>>, vector<1x16xf32>,
    }
    %scan3A_29 = arith.constant 128 : i32
    %scan3A_30 = arith.constant 0 : i32
    %scan3A_31 = arith.constant 79 : i32
    %scan3A_32 = arith.addi %scan3A_30, %scan3A_31 : i32
    %scan3A_33 = arith.constant 1 : i32
    scf.for %scan3A_40 = %scan3A_30 to %scan3A_32 step %scan3A_33  : i32 {
      "tpu.region"() ({
        %run_scoped3A = tpu.sem_alloc : memref<!tpu.dma_semaphore, #tpu.memory_space<semaphore_mem>>
        %dma_start3A = arith.constant 0 : i32
        %dma_start3A_41 = tpu.memref_slice %arg2[%add3A, %scan3A_40, %dma_start3A] : memref<32x79x128xi32, #tpu.memory_space<hbm>> -> memref<1x1x128xi32, #tpu.memory_space<hbm>>
        %dma_start3A_42 = tpu.memref_squeeze %dma_start3A_41 : memref<1x1x128xi32, #tpu.memory_space<hbm>> -> memref<128xi32, #tpu.memory_space<hbm>>
        %dma_start3A_43 = arith.constant 0 : i32
        %dma_start3A_44 = tpu.memref_slice %arg2[%add3A, %scan3A_40, %dma_start3A_43] : memref<32x79x128xi32, #tpu.memory_space<hbm>> -> memref<1x1x128xi32, #tpu.memory_space<hbm>>
        %dma_start3A_45 = tpu.memref_squeeze %dma_start3A_44 : memref<1x1x128xi32, #tpu.memory_space<hbm>> -> memref<128xi32, #tpu.memory_space<hbm>>
        tpu.enqueue_dma source(%dma_start3A_45 : memref<128xi32, #tpu.memory_space<hbm>>) target(%arg5 : memref<128xi32, #tpu.memory_space<vmem>>) target_semaphore(%run_scoped3A : memref<!tpu.dma_semaphore, #tpu.memory_space<semaphore_mem>>)
        %dma_wait3A = arith.constant 0 : i32
        %dma_wait3A_46 = tpu.memref_slice %arg2[%add3A, %scan3A_40, %dma_wait3A] : memref<32x79x128xi32, #tpu.memory_space<hbm>> -> memref<1x1x128xi32, #tpu.memory_space<hbm>>
        %dma_wait3A_47 = tpu.memref_squeeze %dma_wait3A_46 : memref<1x1x128xi32, #tpu.memory_space<hbm>> -> memref<128xi32, #tpu.memory_space<hbm>>
        %dma_wait3A_48 = arith.constant 0 : i32
        %dma_wait3A_49 = tpu.memref_slice %arg2[%add3A, %scan3A_40, %dma_wait3A_48] : memref<32x79x128xi32, #tpu.memory_space<hbm>> -> memref<1x1x128xi32, #tpu.memory_space<hbm>>
        %dma_wait3A_50 = tpu.memref_squeeze %dma_wait3A_49 : memref<1x1x128xi32, #tpu.memory_space<hbm>> -> memref<128xi32, #tpu.memory_space<hbm>>
        tpu.wait_dma2 semaphore(%run_scoped3A : memref<!tpu.dma_semaphore, #tpu.memory_space<semaphore_mem>>) src(%dma_wait3A_50 : memref<128xi32, #tpu.memory_space<hbm>>) dst(%arg5 : memref<128xi32, #tpu.memory_space<vmem>>)
        tpu.yield
      }) : () -> ()
      "tpu.region"() ({
        %run_scoped3A = tpu.sem_alloc : memref<!tpu.dma_semaphore, #tpu.memory_space<semaphore_mem>>
        %dma_start3A = arith.constant 0 : i32
        %dma_start3A_41 = arith.constant 0 : i32
        %dma_start3A_42 = tpu.memref_slice %arg6[%dma_start3A, %dma_start3A_41] : memref<10240x128xf32, #tpu.memory_space<vmem_shared>> -> memref<10240x128xf32, #tpu.memory_space<vmem_shared>>
        tpu.enqueue_indirect_dma source(%arg4 : memref<128x128xf32, #tpu.memory_space<vmem>>) target(%dma_start3A_42 : memref<10240x128xf32, #tpu.memory_space<vmem_shared>>) offsets(%arg5 : memref<128xi32, #tpu.memory_space<vmem>>) semaphore(%run_scoped3A : memref<!tpu.dma_semaphore, #tpu.memory_space<semaphore_mem>>) {add = true}
        %dma_wait3A = arith.constant 0 : i32
        %dma_wait3A_43 = arith.constant 0 : i32
        %dma_wait3A_44 = tpu.memref_slice %arg6[%dma_wait3A, %dma_wait3A_43] : memref<10240x128xf32, #tpu.memory_space<vmem_shared>> -> memref<10240x128xf32, #tpu.memory_space<vmem_shared>>
        tpu.wait_indirect_dma semaphore(%run_scoped3A : memref<!tpu.dma_semaphore, #tpu.memory_space<semaphore_mem>>) src(%arg4 : memref<128x128xf32, #tpu.memory_space<vmem>>) dst(%dma_wait3A_44 : memref<10240x128xf32, #tpu.memory_space<vmem_shared>>)
        tpu.yield
      }) : () -> ()
    }
    %scan3A_34 = arith.constant 79 : i32
    %barrier3A_35 = arith.constant 0 : index
    tpu.barrier barrier_id(%barrier3A_35)
    %mul3A_36 = arith.constant 640 : i32
    %mul3A_37 = arith.muli %arg1, %mul3A_36 : i32
    %mul3A_38 = arith.constant 640 : i32
    %mul3A_39 = arith.muli %arg1, %mul3A_38 : i32
    "tpu.region"() ({
      %run_scoped3A = tpu.sem_alloc : memref<!tpu.dma_semaphore, #tpu.memory_space<semaphore_mem>>
      %dma_start3A = arith.constant 0 : i32
      %dma_start3A_40 = tpu.memref_slice %arg3[%arg0, %mul3A_39, %dma_start3A] : memref<2x10240x128xf32, #tpu.memory_space<hbm>> -> memref<1x640x128xf32, #tpu.memory_space<hbm>>
      %dma_start3A_41 = tpu.memref_squeeze %dma_start3A_40 : memref<1x640x128xf32, #tpu.memory_space<hbm>> -> memref<640x128xf32, #tpu.memory_space<hbm>>
      %dma_start3A_42 = arith.constant 0 : i32
      %dma_start3A_43 = tpu.memref_slice %arg6[%mul3A_37, %dma_start3A_42] : memref<10240x128xf32, #tpu.memory_space<vmem_shared>> -> memref<640x128xf32, #tpu.memory_space<vmem_shared>>
      tpu.enqueue_dma source(%dma_start3A_43 : memref<640x128xf32, #tpu.memory_space<vmem_shared>>) target(%dma_start3A_41 : memref<640x128xf32, #tpu.memory_space<hbm>>) target_semaphore(%run_scoped3A : memref<!tpu.dma_semaphore, #tpu.memory_space<semaphore_mem>>)
      %dma_wait3A = arith.constant 0 : i32
      %dma_wait3A_44 = tpu.memref_slice %arg3[%arg0, %mul3A_39, %dma_wait3A] : memref<2x10240x128xf32, #tpu.memory_space<hbm>> -> memref<1x640x128xf32, #tpu.memory_space<hbm>>
      %dma_wait3A_45 = tpu.memref_squeeze %dma_wait3A_44 : memref<1x640x128xf32, #tpu.memory_space<hbm>> -> memref<640x128xf32, #tpu.memory_space<hbm>>
      %dma_wait3A_46 = arith.constant 0 : i32
      %dma_wait3A_47 = tpu.memref_slice %arg6[%mul3A_37, %dma_wait3A_46] : memref<10240x128xf32, #tpu.memory_space<vmem_shared>> -> memref<640x128xf32, #tpu.memory_space<vmem_shared>>
      tpu.wait_dma2 semaphore(%run_scoped3A : memref<!tpu.dma_semaphore, #tpu.memory_space<semaphore_mem>>) src(%dma_wait3A_47 : memref<640x128xf32, #tpu.memory_space<vmem_shared>>) dst(%dma_wait3A_45 : memref<640x128xf32, #tpu.memory_space<hbm>>)
      tpu.yield
    }) : () -> ()
    return
  }
}

#map = affine_map<(d0, d1) -> (0, 0)>
#map1 = affine_map<(d0, d1) -> (0, 0, 0)>
module attributes {stable_mosaic.version = 14 : i64} {
  func.func @_sc_scatter_body(%arg0: i32, %arg1: i32, %arg2: memref<10000x128xf32, #tpu.memory_space<hbm>>, %arg3: memref<32x79x128xi32, #tpu.memory_space<hbm>>, %arg4: memref<32x79x128xi32, #tpu.memory_space<hbm>>, %arg5: memref<2x10240x128xf32, #tpu.memory_space<hbm>>, %arg6: memref<128x128xf32, #tpu.memory_space<vmem>>, %arg7: memref<128xi32, #tpu.memory_space<vmem>>, %arg8: memref<128xi32, #tpu.memory_space<vmem>>, %arg9: memref<10240x128xf32, #tpu.memory_space<vmem_shared>>, %arg10: memref<!tpu.dma_semaphore, #tpu.memory_space<semaphore_mem>>) attributes {dimension_semantics = [#tpu.dimension_semantics<core_parallel>, #tpu.dimension_semantics<subcore_parallel>], iteration_bounds = array<i64: 2, 16>, scalar_prefetch = 0 : i64, scratch_operands = 5 : i64, tpu.core_type = #tpu.core_type<sc_vector_subcore>, window_params = [{transform_indices = #map}, {transform_indices = #map1}, {transform_indices = #map1}, {transform_indices = #map1}]} {
    %mul3A = arith.constant 2 : i32
    %mul3A_0 = arith.muli %arg1, %mul3A : i32
    %add3A = arith.addi %mul3A_0, %arg0 : i32
    %scan3A = arith.constant 0 : i32
    %scan3A_1 = arith.constant 128 : i32
    %scan3A_2 = arith.addi %scan3A, %scan3A_1 : i32
    %scan3A_3 = arith.constant 1 : i32
    scf.for %scan3A_35 = %scan3A to %scan3A_2 step %scan3A_3  : i32 {
      %broadcast_in_dim3A = arith.constant 0.000000e+00 : f32
      %broadcast_in_dim3A_36 = vector.broadcast %broadcast_in_dim3A : f32 to vector<16xf32>
      %swap3A = arith.index_cast %scan3A_35 : i32 to index
      %swap3A_37 = arith.constant 0 : index
      %swap3A_38 = tpu.vector_load %arg6[%swap3A, %swap3A_37] {strides = array<i32>} : memref<128x128xf32, #tpu.memory_space<vmem>>, vector<1x16xf32>,
      %swap3A_39 = vector.shape_cast %swap3A_38 : vector<1x16xf32> to vector<16xf32>
      %swap3A_40 = vector.shape_cast %broadcast_in_dim3A_36 : vector<16xf32> to vector<1x16xf32>
      tpu.vector_store %arg6[%swap3A, %swap3A_37], %swap3A_40 {strides = array<i32>} : memref<128x128xf32, #tpu.memory_space<vmem>>, vector<1x16xf32>,
      %broadcast_in_dim3A_41 = arith.constant 0.000000e+00 : f32
      %broadcast_in_dim3A_42 = vector.broadcast %broadcast_in_dim3A_41 : f32 to vector<16xf32>
      %swap3A_43 = arith.index_cast %scan3A_35 : i32 to index
      %swap3A_44 = arith.constant 16 : index
      %swap3A_45 = tpu.vector_load %arg6[%swap3A_43, %swap3A_44] {strides = array<i32>} : memref<128x128xf32, #tpu.memory_space<vmem>>, vector<1x16xf32>,
      %swap3A_46 = vector.shape_cast %swap3A_45 : vector<1x16xf32> to vector<16xf32>
      %swap3A_47 = vector.shape_cast %broadcast_in_dim3A_42 : vector<16xf32> to vector<1x16xf32>
      tpu.vector_store %arg6[%swap3A_43, %swap3A_44], %swap3A_47 {strides = array<i32>} : memref<128x128xf32, #tpu.memory_space<vmem>>, vector<1x16xf32>,
      %broadcast_in_dim3A_48 = arith.constant 0.000000e+00 : f32
      %broadcast_in_dim3A_49 = vector.broadcast %broadcast_in_dim3A_48 : f32 to vector<16xf32>
      %swap3A_50 = arith.index_cast %scan3A_35 : i32 to index
      %swap3A_51 = arith.constant 32 : index
      %swap3A_52 = tpu.vector_load %arg6[%swap3A_50, %swap3A_51] {strides = array<i32>} : memref<128x128xf32, #tpu.memory_space<vmem>>, vector<1x16xf32>,
      %swap3A_53 = vector.shape_cast %swap3A_52 : vector<1x16xf32> to vector<16xf32>
      %swap3A_54 = vector.shape_cast %broadcast_in_dim3A_49 : vector<16xf32> to vector<1x16xf32>
      tpu.vector_store %arg6[%swap3A_50, %swap3A_51], %swap3A_54 {strides = array<i32>} : memref<128x128xf32, #tpu.memory_space<vmem>>, vector<1x16xf32>,
      %broadcast_in_dim3A_55 = arith.constant 0.000000e+00 : f32
      %broadcast_in_dim3A_56 = vector.broadcast %broadcast_in_dim3A_55 : f32 to vector<16xf32>
      %swap3A_57 = arith.index_cast %scan3A_35 : i32 to index
      %swap3A_58 = arith.constant 48 : index
      %swap3A_59 = tpu.vector_load %arg6[%swap3A_57, %swap3A_58] {strides = array<i32>} : memref<128x128xf32, #tpu.memory_space<vmem>>, vector<1x16xf32>,
      %swap3A_60 = vector.shape_cast %swap3A_59 : vector<1x16xf32> to vector<16xf32>
      %swap3A_61 = vector.shape_cast %broadcast_in_dim3A_56 : vector<16xf32> to vector<1x16xf32>
      tpu.vector_store %arg6[%swap3A_57, %swap3A_58], %swap3A_61 {strides = array<i32>} : memref<128x128xf32, #tpu.memory_space<vmem>>, vector<1x16xf32>,
      %broadcast_in_dim3A_62 = arith.constant 0.000000e+00 : f32
      %broadcast_in_dim3A_63 = vector.broadcast %broadcast_in_dim3A_62 : f32 to vector<16xf32>
      %swap3A_64 = arith.index_cast %scan3A_35 : i32 to index
      %swap3A_65 = arith.constant 64 : index
      %swap3A_66 = tpu.vector_load %arg6[%swap3A_64, %swap3A_65] {strides = array<i32>} : memref<128x128xf32, #tpu.memory_space<vmem>>, vector<1x16xf32>,
      %swap3A_67 = vector.shape_cast %swap3A_66 : vector<1x16xf32> to vector<16xf32>
      %swap3A_68 = vector.shape_cast %broadcast_in_dim3A_63 : vector<16xf32> to vector<1x16xf32>
      tpu.vector_store %arg6[%swap3A_64, %swap3A_65], %swap3A_68 {strides = array<i32>} : memref<128x128xf32, #tpu.memory_space<vmem>>, vector<1x16xf32>,
      %broadcast_in_dim3A_69 = arith.constant 0.000000e+00 : f32
      %broadcast_in_dim3A_70 = vector.broadcast %broadcast_in_dim3A_69 : f32 to vector<16xf32>
      %swap3A_71 = arith.index_cast %scan3A_35 : i32 to index
      %swap3A_72 = arith.constant 80 : index
      %swap3A_73 = tpu.vector_load %arg6[%swap3A_71, %swap3A_72] {strides = array<i32>} : memref<128x128xf32, #tpu.memory_space<vmem>>, vector<1x16xf32>,
      %swap3A_74 = vector.shape_cast %swap3A_73 : vector<1x16xf32> to vector<16xf32>
      %swap3A_75 = vector.shape_cast %broadcast_in_dim3A_70 : vector<16xf32> to vector<1x16xf32>
      tpu.vector_store %arg6[%swap3A_71, %swap3A_72], %swap3A_75 {strides = array<i32>} : memref<128x128xf32, #tpu.memory_space<vmem>>, vector<1x16xf32>,
      %broadcast_in_dim3A_76 = arith.constant 0.000000e+00 : f32
      %broadcast_in_dim3A_77 = vector.broadcast %broadcast_in_dim3A_76 : f32 to vector<16xf32>
      %swap3A_78 = arith.index_cast %scan3A_35 : i32 to index
      %swap3A_79 = arith.constant 96 : index
      %swap3A_80 = tpu.vector_load %arg6[%swap3A_78, %swap3A_79] {strides = array<i32>} : memref<128x128xf32, #tpu.memory_space<vmem>>, vector<1x16xf32>,
      %swap3A_81 = vector.shape_cast %swap3A_80 : vector<1x16xf32> to vector<16xf32>
      %swap3A_82 = vector.shape_cast %broadcast_in_dim3A_77 : vector<16xf32> to vector<1x16xf32>
      tpu.vector_store %arg6[%swap3A_78, %swap3A_79], %swap3A_82 {strides = array<i32>} : memref<128x128xf32, #tpu.memory_space<vmem>>, vector<1x16xf32>,
      %broadcast_in_dim3A_83 = arith.constant 0.000000e+00 : f32
      %broadcast_in_dim3A_84 = vector.broadcast %broadcast_in_dim3A_83 : f32 to vector<16xf32>
      %swap3A_85 = arith.index_cast %scan3A_35 : i32 to index
      %swap3A_86 = arith.constant 112 : index
      %swap3A_87 = tpu.vector_load %arg6[%swap3A_85, %swap3A_86] {strides = array<i32>} : memref<128x128xf32, #tpu.memory_space<vmem>>, vector<1x16xf32>,
      %swap3A_88 = vector.shape_cast %swap3A_87 : vector<1x16xf32> to vector<16xf32>
      %swap3A_89 = vector.shape_cast %broadcast_in_dim3A_84 : vector<16xf32> to vector<1x16xf32>
      tpu.vector_store %arg6[%swap3A_85, %swap3A_86], %swap3A_89 {strides = array<i32>} : memref<128x128xf32, #tpu.memory_space<vmem>>, vector<1x16xf32>,
    }
    %scan3A_4 = arith.constant 128 : i32
    %mul3A_5 = arith.constant 640 : i32
    %mul3A_6 = arith.muli %arg1, %mul3A_5 : i32
    %add3A_7 = arith.constant 0 : i32
    %add3A_8 = arith.addi %mul3A_6, %add3A_7 : i32
    "tpu.region"() ({
      %run_scoped3A = tpu.sem_alloc : memref<!tpu.dma_semaphore, #tpu.memory_space<semaphore_mem>>
      %dma_start3A = arith.constant 0 : i32
      %dma_start3A_35 = tpu.memref_slice %arg9[%add3A_8, %dma_start3A] : memref<10240x128xf32, #tpu.memory_space<vmem_shared>> -> memref<128x128xf32, #tpu.memory_space<vmem_shared>>
      %dma_start3A_36 = arith.constant 0 : i32
      %dma_start3A_37 = tpu.memref_slice %arg9[%add3A_8, %dma_start3A_36] : memref<10240x128xf32, #tpu.memory_space<vmem_shared>> -> memref<128x128xf32, #tpu.memory_space<vmem_shared>>
      tpu.enqueue_dma source(%arg6 : memref<128x128xf32, #tpu.memory_space<vmem>>) target(%dma_start3A_37 : memref<128x128xf32, #tpu.memory_space<vmem_shared>>) target_semaphore(%run_scoped3A : memref<!tpu.dma_semaphore, #tpu.memory_space<semaphore_mem>>)
      %dma_wait3A = arith.constant 0 : i32
      %dma_wait3A_38 = tpu.memref_slice %arg9[%add3A_8, %dma_wait3A] : memref<10240x128xf32, #tpu.memory_space<vmem_shared>> -> memref<128x128xf32, #tpu.memory_space<vmem_shared>>
      %dma_wait3A_39 = arith.constant 0 : i32
      %dma_wait3A_40 = tpu.memref_slice %arg9[%add3A_8, %dma_wait3A_39] : memref<10240x128xf32, #tpu.memory_space<vmem_shared>> -> memref<128x128xf32, #tpu.memory_space<vmem_shared>>
      tpu.wait_dma2 semaphore(%run_scoped3A : memref<!tpu.dma_semaphore, #tpu.memory_space<semaphore_mem>>) src(%arg6 : memref<128x128xf32, #tpu.memory_space<vmem>>) dst(%dma_wait3A_40 : memref<128x128xf32, #tpu.memory_space<vmem_shared>>)
      tpu.yield
    }) : () -> ()
    %mul3A_9 = arith.constant 640 : i32
    %mul3A_10 = arith.muli %arg1, %mul3A_9 : i32
    %add3A_11 = arith.constant 128 : i32
    %add3A_12 = arith.addi %mul3A_10, %add3A_11 : i32
    "tpu.region"() ({
      %run_scoped3A = tpu.sem_alloc : memref<!tpu.dma_semaphore, #tpu.memory_space<semaphore_mem>>
      %dma_start3A = arith.constant 0 : i32
      %dma_start3A_35 = tpu.memref_slice %arg9[%add3A_12, %dma_start3A] : memref<10240x128xf32, #tpu.memory_space<vmem_shared>> -> memref<128x128xf32, #tpu.memory_space<vmem_shared>>
      %dma_start3A_36 = arith.constant 0 : i32
      %dma_start3A_37 = tpu.memref_slice %arg9[%add3A_12, %dma_start3A_36] : memref<10240x128xf32, #tpu.memory_space<vmem_shared>> -> memref<128x128xf32, #tpu.memory_space<vmem_shared>>
      tpu.enqueue_dma source(%arg6 : memref<128x128xf32, #tpu.memory_space<vmem>>) target(%dma_start3A_37 : memref<128x128xf32, #tpu.memory_space<vmem_shared>>) target_semaphore(%run_scoped3A : memref<!tpu.dma_semaphore, #tpu.memory_space<semaphore_mem>>)
      %dma_wait3A = arith.constant 0 : i32
      %dma_wait3A_38 = tpu.memref_slice %arg9[%add3A_12, %dma_wait3A] : memref<10240x128xf32, #tpu.memory_space<vmem_shared>> -> memref<128x128xf32, #tpu.memory_space<vmem_shared>>
      %dma_wait3A_39 = arith.constant 0 : i32
      %dma_wait3A_40 = tpu.memref_slice %arg9[%add3A_12, %dma_wait3A_39] : memref<10240x128xf32, #tpu.memory_space<vmem_shared>> -> memref<128x128xf32, #tpu.memory_space<vmem_shared>>
      tpu.wait_dma2 semaphore(%run_scoped3A : memref<!tpu.dma_semaphore, #tpu.memory_space<semaphore_mem>>) src(%arg6 : memref<128x128xf32, #tpu.memory_space<vmem>>) dst(%dma_wait3A_40 : memref<128x128xf32, #tpu.memory_space<vmem_shared>>)
      tpu.yield
    }) : () -> ()
    %mul3A_13 = arith.constant 640 : i32
    %mul3A_14 = arith.muli %arg1, %mul3A_13 : i32
    %add3A_15 = arith.constant 256 : i32
    %add3A_16 = arith.addi %mul3A_14, %add3A_15 : i32
    "tpu.region"() ({
      %run_scoped3A = tpu.sem_alloc : memref<!tpu.dma_semaphore, #tpu.memory_space<semaphore_mem>>
      %dma_start3A = arith.constant 0 : i32
      %dma_start3A_35 = tpu.memref_slice %arg9[%add3A_16, %dma_start3A] : memref<10240x128xf32, #tpu.memory_space<vmem_shared>> -> memref<128x128xf32, #tpu.memory_space<vmem_shared>>
      %dma_start3A_36 = arith.constant 0 : i32
      %dma_start3A_37 = tpu.memref_slice %arg9[%add3A_16, %dma_start3A_36] : memref<10240x128xf32, #tpu.memory_space<vmem_shared>> -> memref<128x128xf32, #tpu.memory_space<vmem_shared>>
      tpu.enqueue_dma source(%arg6 : memref<128x128xf32, #tpu.memory_space<vmem>>) target(%dma_start3A_37 : memref<128x128xf32, #tpu.memory_space<vmem_shared>>) target_semaphore(%run_scoped3A : memref<!tpu.dma_semaphore, #tpu.memory_space<semaphore_mem>>)
      %dma_wait3A = arith.constant 0 : i32
      %dma_wait3A_38 = tpu.memref_slice %arg9[%add3A_16, %dma_wait3A] : memref<10240x128xf32, #tpu.memory_space<vmem_shared>> -> memref<128x128xf32, #tpu.memory_space<vmem_shared>>
      %dma_wait3A_39 = arith.constant 0 : i32
      %dma_wait3A_40 = tpu.memref_slice %arg9[%add3A_16, %dma_wait3A_39] : memref<10240x128xf32, #tpu.memory_space<vmem_shared>> -> memref<128x128xf32, #tpu.memory_space<vmem_shared>>
      tpu.wait_dma2 semaphore(%run_scoped3A : memref<!tpu.dma_semaphore, #tpu.memory_space<semaphore_mem>>) src(%arg6 : memref<128x128xf32, #tpu.memory_space<vmem>>) dst(%dma_wait3A_40 : memref<128x128xf32, #tpu.memory_space<vmem_shared>>)
      tpu.yield
    }) : () -> ()
    %mul3A_17 = arith.constant 640 : i32
    %mul3A_18 = arith.muli %arg1, %mul3A_17 : i32
    %add3A_19 = arith.constant 384 : i32
    %add3A_20 = arith.addi %mul3A_18, %add3A_19 : i32
    "tpu.region"() ({
      %run_scoped3A = tpu.sem_alloc : memref<!tpu.dma_semaphore, #tpu.memory_space<semaphore_mem>>
      %dma_start3A = arith.constant 0 : i32
      %dma_start3A_35 = tpu.memref_slice %arg9[%add3A_20, %dma_start3A] : memref<10240x128xf32, #tpu.memory_space<vmem_shared>> -> memref<128x128xf32, #tpu.memory_space<vmem_shared>>
      %dma_start3A_36 = arith.constant 0 : i32
      %dma_start3A_37 = tpu.memref_slice %arg9[%add3A_20, %dma_start3A_36] : memref<10240x128xf32, #tpu.memory_space<vmem_shared>> -> memref<128x128xf32, #tpu.memory_space<vmem_shared>>
      tpu.enqueue_dma source(%arg6 : memref<128x128xf32, #tpu.memory_space<vmem>>) target(%dma_start3A_37 : memref<128x128xf32, #tpu.memory_space<vmem_shared>>) target_semaphore(%run_scoped3A : memref<!tpu.dma_semaphore, #tpu.memory_space<semaphore_mem>>)
      %dma_wait3A = arith.constant 0 : i32
      %dma_wait3A_38 = tpu.memref_slice %arg9[%add3A_20, %dma_wait3A] : memref<10240x128xf32, #tpu.memory_space<vmem_shared>> -> memref<128x128xf32, #tpu.memory_space<vmem_shared>>
      %dma_wait3A_39 = arith.constant 0 : i32
      %dma_wait3A_40 = tpu.memref_slice %arg9[%add3A_20, %dma_wait3A_39] : memref<10240x128xf32, #tpu.memory_space<vmem_shared>> -> memref<128x128xf32, #tpu.memory_space<vmem_shared>>
      tpu.wait_dma2 semaphore(%run_scoped3A : memref<!tpu.dma_semaphore, #tpu.memory_space<semaphore_mem>>) src(%arg6 : memref<128x128xf32, #tpu.memory_space<vmem>>) dst(%dma_wait3A_40 : memref<128x128xf32, #tpu.memory_space<vmem_shared>>)
      tpu.yield
    }) : () -> ()
    %mul3A_21 = arith.constant 640 : i32
    %mul3A_22 = arith.muli %arg1, %mul3A_21 : i32
    %add3A_23 = arith.constant 512 : i32
    %add3A_24 = arith.addi %mul3A_22, %add3A_23 : i32
    "tpu.region"() ({
      %run_scoped3A = tpu.sem_alloc : memref<!tpu.dma_semaphore, #tpu.memory_space<semaphore_mem>>
      %dma_start3A = arith.constant 0 : i32
      %dma_start3A_35 = tpu.memref_slice %arg9[%add3A_24, %dma_start3A] : memref<10240x128xf32, #tpu.memory_space<vmem_shared>> -> memref<128x128xf32, #tpu.memory_space<vmem_shared>>
      %dma_start3A_36 = arith.constant 0 : i32
      %dma_start3A_37 = tpu.memref_slice %arg9[%add3A_24, %dma_start3A_36] : memref<10240x128xf32, #tpu.memory_space<vmem_shared>> -> memref<128x128xf32, #tpu.memory_space<vmem_shared>>
      tpu.enqueue_dma source(%arg6 : memref<128x128xf32, #tpu.memory_space<vmem>>) target(%dma_start3A_37 : memref<128x128xf32, #tpu.memory_space<vmem_shared>>) target_semaphore(%run_scoped3A : memref<!tpu.dma_semaphore, #tpu.memory_space<semaphore_mem>>)
      %dma_wait3A = arith.constant 0 : i32
      %dma_wait3A_38 = tpu.memref_slice %arg9[%add3A_24, %dma_wait3A] : memref<10240x128xf32, #tpu.memory_space<vmem_shared>> -> memref<128x128xf32, #tpu.memory_space<vmem_shared>>
      %dma_wait3A_39 = arith.constant 0 : i32
      %dma_wait3A_40 = tpu.memref_slice %arg9[%add3A_24, %dma_wait3A_39] : memref<10240x128xf32, #tpu.memory_space<vmem_shared>> -> memref<128x128xf32, #tpu.memory_space<vmem_shared>>
      tpu.wait_dma2 semaphore(%run_scoped3A : memref<!tpu.dma_semaphore, #tpu.memory_space<semaphore_mem>>) src(%arg6 : memref<128x128xf32, #tpu.memory_space<vmem>>) dst(%dma_wait3A_40 : memref<128x128xf32, #tpu.memory_space<vmem_shared>>)
      tpu.yield
    }) : () -> ()
    %barrier3A = arith.constant 0 : index
    tpu.barrier barrier_id(%barrier3A)
    %scan3A_25 = arith.constant 0 : i32
    %scan3A_26 = arith.constant 79 : i32
    %scan3A_27 = arith.addi %scan3A_25, %scan3A_26 : i32
    %scan3A_28 = arith.constant 1 : i32
    scf.for %scan3A_35 = %scan3A_25 to %scan3A_27 step %scan3A_28  : i32 {
      "tpu.region"() ({
        %run_scoped3A = tpu.sem_alloc : memref<!tpu.dma_semaphore, #tpu.memory_space<semaphore_mem>>
        %dma_start3A_40 = arith.constant 0 : i32
        %dma_start3A_41 = tpu.memref_slice %arg3[%add3A, %scan3A_35, %dma_start3A_40] : memref<32x79x128xi32, #tpu.memory_space<hbm>> -> memref<1x1x128xi32, #tpu.memory_space<hbm>>
        %dma_start3A_42 = tpu.memref_squeeze %dma_start3A_41 : memref<1x1x128xi32, #tpu.memory_space<hbm>> -> memref<128xi32, #tpu.memory_space<hbm>>
        %dma_start3A_43 = arith.constant 0 : i32
        %dma_start3A_44 = tpu.memref_slice %arg3[%add3A, %scan3A_35, %dma_start3A_43] : memref<32x79x128xi32, #tpu.memory_space<hbm>> -> memref<1x1x128xi32, #tpu.memory_space<hbm>>
        %dma_start3A_45 = tpu.memref_squeeze %dma_start3A_44 : memref<1x1x128xi32, #tpu.memory_space<hbm>> -> memref<128xi32, #tpu.memory_space<hbm>>
        tpu.enqueue_dma source(%dma_start3A_45 : memref<128xi32, #tpu.memory_space<hbm>>) target(%arg7 : memref<128xi32, #tpu.memory_space<vmem>>) target_semaphore(%run_scoped3A : memref<!tpu.dma_semaphore, #tpu.memory_space<semaphore_mem>>)
        %dma_wait3A_46 = arith.constant 0 : i32
        %dma_wait3A_47 = tpu.memref_slice %arg3[%add3A, %scan3A_35, %dma_wait3A_46] : memref<32x79x128xi32, #tpu.memory_space<hbm>> -> memref<1x1x128xi32, #tpu.memory_space<hbm>>
        %dma_wait3A_48 = tpu.memref_squeeze %dma_wait3A_47 : memref<1x1x128xi32, #tpu.memory_space<hbm>> -> memref<128xi32, #tpu.memory_space<hbm>>
        %dma_wait3A_49 = arith.constant 0 : i32
        %dma_wait3A_50 = tpu.memref_slice %arg3[%add3A, %scan3A_35, %dma_wait3A_49] : memref<32x79x128xi32, #tpu.memory_space<hbm>> -> memref<1x1x128xi32, #tpu.memory_space<hbm>>
        %dma_wait3A_51 = tpu.memref_squeeze %dma_wait3A_50 : memref<1x1x128xi32, #tpu.memory_space<hbm>> -> memref<128xi32, #tpu.memory_space<hbm>>
        tpu.wait_dma2 semaphore(%run_scoped3A : memref<!tpu.dma_semaphore, #tpu.memory_space<semaphore_mem>>) src(%dma_wait3A_51 : memref<128xi32, #tpu.memory_space<hbm>>) dst(%arg7 : memref<128xi32, #tpu.memory_space<vmem>>)
        tpu.yield
      }) : () -> ()
      "tpu.region"() ({
        %run_scoped3A = tpu.sem_alloc : memref<!tpu.dma_semaphore, #tpu.memory_space<semaphore_mem>>
        %dma_start3A_40 = arith.constant 0 : i32
        %dma_start3A_41 = tpu.memref_slice %arg4[%add3A, %scan3A_35, %dma_start3A_40] : memref<32x79x128xi32, #tpu.memory_space<hbm>> -> memref<1x1x128xi32, #tpu.memory_space<hbm>>
        %dma_start3A_42 = tpu.memref_squeeze %dma_start3A_41 : memref<1x1x128xi32, #tpu.memory_space<hbm>> -> memref<128xi32, #tpu.memory_space<hbm>>
        %dma_start3A_43 = arith.constant 0 : i32
        %dma_start3A_44 = tpu.memref_slice %arg4[%add3A, %scan3A_35, %dma_start3A_43] : memref<32x79x128xi32, #tpu.memory_space<hbm>> -> memref<1x1x128xi32, #tpu.memory_space<hbm>>
        %dma_start3A_45 = tpu.memref_squeeze %dma_start3A_44 : memref<1x1x128xi32, #tpu.memory_space<hbm>> -> memref<128xi32, #tpu.memory_space<hbm>>
        tpu.enqueue_dma source(%dma_start3A_45 : memref<128xi32, #tpu.memory_space<hbm>>) target(%arg8 : memref<128xi32, #tpu.memory_space<vmem>>) target_semaphore(%run_scoped3A : memref<!tpu.dma_semaphore, #tpu.memory_space<semaphore_mem>>)
        %dma_wait3A_46 = arith.constant 0 : i32
        %dma_wait3A_47 = tpu.memref_slice %arg4[%add3A, %scan3A_35, %dma_wait3A_46] : memref<32x79x128xi32, #tpu.memory_space<hbm>> -> memref<1x1x128xi32, #tpu.memory_space<hbm>>
        %dma_wait3A_48 = tpu.memref_squeeze %dma_wait3A_47 : memref<1x1x128xi32, #tpu.memory_space<hbm>> -> memref<128xi32, #tpu.memory_space<hbm>>
        %dma_wait3A_49 = arith.constant 0 : i32
        %dma_wait3A_50 = tpu.memref_slice %arg4[%add3A, %scan3A_35, %dma_wait3A_49] : memref<32x79x128xi32, #tpu.memory_space<hbm>> -> memref<1x1x128xi32, #tpu.memory_space<hbm>>
        %dma_wait3A_51 = tpu.memref_squeeze %dma_wait3A_50 : memref<1x1x128xi32, #tpu.memory_space<hbm>> -> memref<128xi32, #tpu.memory_space<hbm>>
        tpu.wait_dma2 semaphore(%run_scoped3A : memref<!tpu.dma_semaphore, #tpu.memory_space<semaphore_mem>>) src(%dma_wait3A_51 : memref<128xi32, #tpu.memory_space<hbm>>) dst(%arg8 : memref<128xi32, #tpu.memory_space<vmem>>)
        tpu.yield
      }) : () -> ()
      %dma_start3A = arith.constant 0 : i32
      %dma_start3A_36 = arith.constant 0 : i32
      %dma_start3A_37 = tpu.memref_slice %arg2[%dma_start3A, %dma_start3A_36] : memref<10000x128xf32, #tpu.memory_space<hbm>> -> memref<10000x128xf32, #tpu.memory_space<hbm>>
      tpu.enqueue_indirect_dma source(%dma_start3A_37 : memref<10000x128xf32, #tpu.memory_space<hbm>>) target(%arg6 : memref<128x128xf32, #tpu.memory_space<vmem>>) offsets(%arg7 : memref<128xi32, #tpu.memory_space<vmem>>) semaphore(%arg10 : memref<!tpu.dma_semaphore, #tpu.memory_space<semaphore_mem>>)
      %dma_wait3A = arith.constant 0 : i32
      %dma_wait3A_38 = arith.constant 0 : i32
      %dma_wait3A_39 = tpu.memref_slice %arg2[%dma_wait3A, %dma_wait3A_38] : memref<10000x128xf32, #tpu.memory_space<hbm>> -> memref<10000x128xf32, #tpu.memory_space<hbm>>
      tpu.wait_indirect_dma semaphore(%arg10 : memref<!tpu.dma_semaphore, #tpu.memory_space<semaphore_mem>>) src(%dma_wait3A_39 : memref<10000x128xf32, #tpu.memory_space<hbm>>) dst(%arg6 : memref<128x128xf32, #tpu.memory_space<vmem>>)
      "tpu.region"() ({
        %run_scoped3A = tpu.sem_alloc : memref<!tpu.dma_semaphore, #tpu.memory_space<semaphore_mem>>
        %dma_start3A_40 = arith.constant 0 : i32
        %dma_start3A_41 = arith.constant 0 : i32
        %dma_start3A_42 = tpu.memref_slice %arg9[%dma_start3A_40, %dma_start3A_41] : memref<10240x128xf32, #tpu.memory_space<vmem_shared>> -> memref<10240x128xf32, #tpu.memory_space<vmem_shared>>
        tpu.enqueue_indirect_dma source(%arg6 : memref<128x128xf32, #tpu.memory_space<vmem>>) target(%dma_start3A_42 : memref<10240x128xf32, #tpu.memory_space<vmem_shared>>) offsets(%arg8 : memref<128xi32, #tpu.memory_space<vmem>>) semaphore(%run_scoped3A : memref<!tpu.dma_semaphore, #tpu.memory_space<semaphore_mem>>) {add = true}
        %dma_wait3A_43 = arith.constant 0 : i32
        %dma_wait3A_44 = arith.constant 0 : i32
        %dma_wait3A_45 = tpu.memref_slice %arg9[%dma_wait3A_43, %dma_wait3A_44] : memref<10240x128xf32, #tpu.memory_space<vmem_shared>> -> memref<10240x128xf32, #tpu.memory_space<vmem_shared>>
        tpu.wait_indirect_dma semaphore(%run_scoped3A : memref<!tpu.dma_semaphore, #tpu.memory_space<semaphore_mem>>) src(%arg6 : memref<128x128xf32, #tpu.memory_space<vmem>>) dst(%dma_wait3A_45 : memref<10240x128xf32, #tpu.memory_space<vmem_shared>>)
        tpu.yield
      }) : () -> ()
    }
    %scan3A_29 = arith.constant 79 : i32
    %barrier3A_30 = arith.constant 0 : index
    tpu.barrier barrier_id(%barrier3A_30)
    %mul3A_31 = arith.constant 640 : i32
    %mul3A_32 = arith.muli %arg1, %mul3A_31 : i32
    %mul3A_33 = arith.constant 640 : i32
    %mul3A_34 = arith.muli %arg1, %mul3A_33 : i32
    "tpu.region"() ({
      %run_scoped3A = tpu.sem_alloc : memref<!tpu.dma_semaphore, #tpu.memory_space<semaphore_mem>>
      %dma_start3A = arith.constant 0 : i32
      %dma_start3A_35 = tpu.memref_slice %arg5[%arg0, %mul3A_34, %dma_start3A] : memref<2x10240x128xf32, #tpu.memory_space<hbm>> -> memref<1x640x128xf32, #tpu.memory_space<hbm>>
      %dma_start3A_36 = tpu.memref_squeeze %dma_start3A_35 : memref<1x640x128xf32, #tpu.memory_space<hbm>> -> memref<640x128xf32, #tpu.memory_space<hbm>>
      %dma_start3A_37 = arith.constant 0 : i32
      %dma_start3A_38 = tpu.memref_slice %arg9[%mul3A_32, %dma_start3A_37] : memref<10240x128xf32, #tpu.memory_space<vmem_shared>> -> memref<640x128xf32, #tpu.memory_space<vmem_shared>>
      tpu.enqueue_dma source(%dma_start3A_38 : memref<640x128xf32, #tpu.memory_space<vmem_shared>>) target(%dma_start3A_36 : memref<640x128xf32, #tpu.memory_space<hbm>>) target_semaphore(%run_scoped3A : memref<!tpu.dma_semaphore, #tpu.memory_space<semaphore_mem>>)
      %dma_wait3A = arith.constant 0 : i32
      %dma_wait3A_39 = tpu.memref_slice %arg5[%arg0, %mul3A_34, %dma_wait3A] : memref<2x10240x128xf32, #tpu.memory_space<hbm>> -> memref<1x640x128xf32, #tpu.memory_space<hbm>>
      %dma_wait3A_40 = tpu.memref_squeeze %dma_wait3A_39 : memref<1x640x128xf32, #tpu.memory_space<hbm>> -> memref<640x128xf32, #tpu.memory_space<hbm>>
      %dma_wait3A_41 = arith.constant 0 : i32
      %dma_wait3A_42 = tpu.memref_slice %arg9[%mul3A_32, %dma_wait3A_41] : memref<10240x128xf32, #tpu.memory_space<vmem_shared>> -> memref<640x128xf32, #tpu.memory_space<vmem_shared>>
      tpu.wait_dma2 semaphore(%run_scoped3A : memref<!tpu.dma_semaphore, #tpu.memory_space<semaphore_mem>>) src(%dma_wait3A_42 : memref<640x128xf32, #tpu.memory_space<vmem_shared>>) dst(%dma_wait3A_40 : memref<640x128xf32, #tpu.memory_space<hbm>>)
      tpu.yield
    }) : () -> ()
    return
  }
}

#map = affine_map<(d0, d1) -> (0, 0)>
#map1 = affine_map<(d0, d1) -> (0, 0, 0)>
module attributes {stable_mosaic.version = 14 : i64} {
  func.func @_sc_scatter_body(%arg0: i32, %arg1: i32, %arg2: memref<10000x128xf32, #tpu.memory_space<hbm>>, %arg3: memref<32x79x128xi32, #tpu.memory_space<hbm>>, %arg4: memref<32x79x128xi32, #tpu.memory_space<hbm>>, %arg5: memref<2x10240x128xf32, #tpu.memory_space<hbm>>, %arg6: memref<128x128xf32, #tpu.memory_space<vmem>>, %arg7: memref<128xi32, #tpu.memory_space<vmem>>, %arg8: memref<128xi32, #tpu.memory_space<vmem>>, %arg9: memref<10240x128xf32, #tpu.memory_space<vmem_shared>>, %arg10: memref<!tpu.dma_semaphore, #tpu.memory_space<semaphore_mem>>) attributes {dimension_semantics = [#tpu.dimension_semantics<core_parallel>, #tpu.dimension_semantics<subcore_parallel>], iteration_bounds = array<i64: 2, 16>, scalar_prefetch = 0 : i64, scratch_operands = 5 : i64, tpu.core_type = #tpu.core_type<sc_vector_subcore>, window_params = [{transform_indices = #map}, {transform_indices = #map1}, {transform_indices = #map1}, {transform_indices = #map1}]} {
    %mul3A = arith.constant 2 : i32
    %mul3A_0 = arith.muli %arg1, %mul3A : i32
    %add3A = arith.addi %mul3A_0, %arg0 : i32
    %scan3A = arith.constant 0 : i32
    %scan3A_1 = arith.constant 128 : i32
    %scan3A_2 = arith.addi %scan3A, %scan3A_1 : i32
    %scan3A_3 = arith.constant 1 : i32
    scf.for %scan3A_35 = %scan3A to %scan3A_2 step %scan3A_3  : i32 {
      %broadcast_in_dim3A = arith.constant 0.000000e+00 : f32
      %broadcast_in_dim3A_36 = vector.broadcast %broadcast_in_dim3A : f32 to vector<16xf32>
      %swap3A = arith.index_cast %scan3A_35 : i32 to index
      %swap3A_37 = arith.constant 0 : index
      %swap3A_38 = tpu.vector_load %arg6[%swap3A, %swap3A_37] {strides = array<i32>} : memref<128x128xf32, #tpu.memory_space<vmem>>, vector<1x16xf32>,
      %swap3A_39 = vector.shape_cast %swap3A_38 : vector<1x16xf32> to vector<16xf32>
      %swap3A_40 = vector.shape_cast %broadcast_in_dim3A_36 : vector<16xf32> to vector<1x16xf32>
      tpu.vector_store %arg6[%swap3A, %swap3A_37], %swap3A_40 {strides = array<i32>} : memref<128x128xf32, #tpu.memory_space<vmem>>, vector<1x16xf32>,
      %broadcast_in_dim3A_41 = arith.constant 0.000000e+00 : f32
      %broadcast_in_dim3A_42 = vector.broadcast %broadcast_in_dim3A_41 : f32 to vector<16xf32>
      %swap3A_43 = arith.index_cast %scan3A_35 : i32 to index
      %swap3A_44 = arith.constant 16 : index
      %swap3A_45 = tpu.vector_load %arg6[%swap3A_43, %swap3A_44] {strides = array<i32>} : memref<128x128xf32, #tpu.memory_space<vmem>>, vector<1x16xf32>,
      %swap3A_46 = vector.shape_cast %swap3A_45 : vector<1x16xf32> to vector<16xf32>
      %swap3A_47 = vector.shape_cast %broadcast_in_dim3A_42 : vector<16xf32> to vector<1x16xf32>
      tpu.vector_store %arg6[%swap3A_43, %swap3A_44], %swap3A_47 {strides = array<i32>} : memref<128x128xf32, #tpu.memory_space<vmem>>, vector<1x16xf32>,
      %broadcast_in_dim3A_48 = arith.constant 0.000000e+00 : f32
      %broadcast_in_dim3A_49 = vector.broadcast %broadcast_in_dim3A_48 : f32 to vector<16xf32>
      %swap3A_50 = arith.index_cast %scan3A_35 : i32 to index
      %swap3A_51 = arith.constant 32 : index
      %swap3A_52 = tpu.vector_load %arg6[%swap3A_50, %swap3A_51] {strides = array<i32>} : memref<128x128xf32, #tpu.memory_space<vmem>>, vector<1x16xf32>,
      %swap3A_53 = vector.shape_cast %swap3A_52 : vector<1x16xf32> to vector<16xf32>
      %swap3A_54 = vector.shape_cast %broadcast_in_dim3A_49 : vector<16xf32> to vector<1x16xf32>
      tpu.vector_store %arg6[%swap3A_50, %swap3A_51], %swap3A_54 {strides = array<i32>} : memref<128x128xf32, #tpu.memory_space<vmem>>, vector<1x16xf32>,
      %broadcast_in_dim3A_55 = arith.constant 0.000000e+00 : f32
      %broadcast_in_dim3A_56 = vector.broadcast %broadcast_in_dim3A_55 : f32 to vector<16xf32>
      %swap3A_57 = arith.index_cast %scan3A_35 : i32 to index
      %swap3A_58 = arith.constant 48 : index
      %swap3A_59 = tpu.vector_load %arg6[%swap3A_57, %swap3A_58] {strides = array<i32>} : memref<128x128xf32, #tpu.memory_space<vmem>>, vector<1x16xf32>,
      %swap3A_60 = vector.shape_cast %swap3A_59 : vector<1x16xf32> to vector<16xf32>
      %swap3A_61 = vector.shape_cast %broadcast_in_dim3A_56 : vector<16xf32> to vector<1x16xf32>
      tpu.vector_store %arg6[%swap3A_57, %swap3A_58], %swap3A_61 {strides = array<i32>} : memref<128x128xf32, #tpu.memory_space<vmem>>, vector<1x16xf32>,
      %broadcast_in_dim3A_62 = arith.constant 0.000000e+00 : f32
      %broadcast_in_dim3A_63 = vector.broadcast %broadcast_in_dim3A_62 : f32 to vector<16xf32>
      %swap3A_64 = arith.index_cast %scan3A_35 : i32 to index
      %swap3A_65 = arith.constant 64 : index
      %swap3A_66 = tpu.vector_load %arg6[%swap3A_64, %swap3A_65] {strides = array<i32>} : memref<128x128xf32, #tpu.memory_space<vmem>>, vector<1x16xf32>,
      %swap3A_67 = vector.shape_cast %swap3A_66 : vector<1x16xf32> to vector<16xf32>
      %swap3A_68 = vector.shape_cast %broadcast_in_dim3A_63 : vector<16xf32> to vector<1x16xf32>
      tpu.vector_store %arg6[%swap3A_64, %swap3A_65], %swap3A_68 {strides = array<i32>} : memref<128x128xf32, #tpu.memory_space<vmem>>, vector<1x16xf32>,
      %broadcast_in_dim3A_69 = arith.constant 0.000000e+00 : f32
      %broadcast_in_dim3A_70 = vector.broadcast %broadcast_in_dim3A_69 : f32 to vector<16xf32>
      %swap3A_71 = arith.index_cast %scan3A_35 : i32 to index
      %swap3A_72 = arith.constant 80 : index
      %swap3A_73 = tpu.vector_load %arg6[%swap3A_71, %swap3A_72] {strides = array<i32>} : memref<128x128xf32, #tpu.memory_space<vmem>>, vector<1x16xf32>,
      %swap3A_74 = vector.shape_cast %swap3A_73 : vector<1x16xf32> to vector<16xf32>
      %swap3A_75 = vector.shape_cast %broadcast_in_dim3A_70 : vector<16xf32> to vector<1x16xf32>
      tpu.vector_store %arg6[%swap3A_71, %swap3A_72], %swap3A_75 {strides = array<i32>} : memref<128x128xf32, #tpu.memory_space<vmem>>, vector<1x16xf32>,
      %broadcast_in_dim3A_76 = arith.constant 0.000000e+00 : f32
      %broadcast_in_dim3A_77 = vector.broadcast %broadcast_in_dim3A_76 : f32 to vector<16xf32>
      %swap3A_78 = arith.index_cast %scan3A_35 : i32 to index
      %swap3A_79 = arith.constant 96 : index
      %swap3A_80 = tpu.vector_load %arg6[%swap3A_78, %swap3A_79] {strides = array<i32>} : memref<128x128xf32, #tpu.memory_space<vmem>>, vector<1x16xf32>,
      %swap3A_81 = vector.shape_cast %swap3A_80 : vector<1x16xf32> to vector<16xf32>
      %swap3A_82 = vector.shape_cast %broadcast_in_dim3A_77 : vector<16xf32> to vector<1x16xf32>
      tpu.vector_store %arg6[%swap3A_78, %swap3A_79], %swap3A_82 {strides = array<i32>} : memref<128x128xf32, #tpu.memory_space<vmem>>, vector<1x16xf32>,
      %broadcast_in_dim3A_83 = arith.constant 0.000000e+00 : f32
      %broadcast_in_dim3A_84 = vector.broadcast %broadcast_in_dim3A_83 : f32 to vector<16xf32>
      %swap3A_85 = arith.index_cast %scan3A_35 : i32 to index
      %swap3A_86 = arith.constant 112 : index
      %swap3A_87 = tpu.vector_load %arg6[%swap3A_85, %swap3A_86] {strides = array<i32>} : memref<128x128xf32, #tpu.memory_space<vmem>>, vector<1x16xf32>,
      %swap3A_88 = vector.shape_cast %swap3A_87 : vector<1x16xf32> to vector<16xf32>
      %swap3A_89 = vector.shape_cast %broadcast_in_dim3A_84 : vector<16xf32> to vector<1x16xf32>
      tpu.vector_store %arg6[%swap3A_85, %swap3A_86], %swap3A_89 {strides = array<i32>} : memref<128x128xf32, #tpu.memory_space<vmem>>, vector<1x16xf32>,
    }
    %scan3A_4 = arith.constant 128 : i32
    %mul3A_5 = arith.constant 640 : i32
    %mul3A_6 = arith.muli %arg1, %mul3A_5 : i32
    %add3A_7 = arith.constant 0 : i32
    %add3A_8 = arith.addi %mul3A_6, %add3A_7 : i32
    "tpu.region"() ({
      %run_scoped3A = tpu.sem_alloc : memref<!tpu.dma_semaphore, #tpu.memory_space<semaphore_mem>>
      %dma_start3A = arith.constant 0 : i32
      %dma_start3A_35 = tpu.memref_slice %arg9[%add3A_8, %dma_start3A] : memref<10240x128xf32, #tpu.memory_space<vmem_shared>> -> memref<128x128xf32, #tpu.memory_space<vmem_shared>>
      %dma_start3A_36 = arith.constant 0 : i32
      %dma_start3A_37 = tpu.memref_slice %arg9[%add3A_8, %dma_start3A_36] : memref<10240x128xf32, #tpu.memory_space<vmem_shared>> -> memref<128x128xf32, #tpu.memory_space<vmem_shared>>
      tpu.enqueue_dma source(%arg6 : memref<128x128xf32, #tpu.memory_space<vmem>>) target(%dma_start3A_37 : memref<128x128xf32, #tpu.memory_space<vmem_shared>>) target_semaphore(%run_scoped3A : memref<!tpu.dma_semaphore, #tpu.memory_space<semaphore_mem>>)
      %dma_wait3A = arith.constant 0 : i32
      %dma_wait3A_38 = tpu.memref_slice %arg9[%add3A_8, %dma_wait3A] : memref<10240x128xf32, #tpu.memory_space<vmem_shared>> -> memref<128x128xf32, #tpu.memory_space<vmem_shared>>
      %dma_wait3A_39 = arith.constant 0 : i32
      %dma_wait3A_40 = tpu.memref_slice %arg9[%add3A_8, %dma_wait3A_39] : memref<10240x128xf32, #tpu.memory_space<vmem_shared>> -> memref<128x128xf32, #tpu.memory_space<vmem_shared>>
      tpu.wait_dma2 semaphore(%run_scoped3A : memref<!tpu.dma_semaphore, #tpu.memory_space<semaphore_mem>>) src(%arg6 : memref<128x128xf32, #tpu.memory_space<vmem>>) dst(%dma_wait3A_40 : memref<128x128xf32, #tpu.memory_space<vmem_shared>>)
      tpu.yield
    }) : () -> ()
    %mul3A_9 = arith.constant 640 : i32
    %mul3A_10 = arith.muli %arg1, %mul3A_9 : i32
    %add3A_11 = arith.constant 128 : i32
    %add3A_12 = arith.addi %mul3A_10, %add3A_11 : i32
    "tpu.region"() ({
      %run_scoped3A = tpu.sem_alloc : memref<!tpu.dma_semaphore, #tpu.memory_space<semaphore_mem>>
      %dma_start3A = arith.constant 0 : i32
      %dma_start3A_35 = tpu.memref_slice %arg9[%add3A_12, %dma_start3A] : memref<10240x128xf32, #tpu.memory_space<vmem_shared>> -> memref<128x128xf32, #tpu.memory_space<vmem_shared>>
      %dma_start3A_36 = arith.constant 0 : i32
      %dma_start3A_37 = tpu.memref_slice %arg9[%add3A_12, %dma_start3A_36] : memref<10240x128xf32, #tpu.memory_space<vmem_shared>> -> memref<128x128xf32, #tpu.memory_space<vmem_shared>>
      tpu.enqueue_dma source(%arg6 : memref<128x128xf32, #tpu.memory_space<vmem>>) target(%dma_start3A_37 : memref<128x128xf32, #tpu.memory_space<vmem_shared>>) target_semaphore(%run_scoped3A : memref<!tpu.dma_semaphore, #tpu.memory_space<semaphore_mem>>)
      %dma_wait3A = arith.constant 0 : i32
      %dma_wait3A_38 = tpu.memref_slice %arg9[%add3A_12, %dma_wait3A] : memref<10240x128xf32, #tpu.memory_space<vmem_shared>> -> memref<128x128xf32, #tpu.memory_space<vmem_shared>>
      %dma_wait3A_39 = arith.constant 0 : i32
      %dma_wait3A_40 = tpu.memref_slice %arg9[%add3A_12, %dma_wait3A_39] : memref<10240x128xf32, #tpu.memory_space<vmem_shared>> -> memref<128x128xf32, #tpu.memory_space<vmem_shared>>
      tpu.wait_dma2 semaphore(%run_scoped3A : memref<!tpu.dma_semaphore, #tpu.memory_space<semaphore_mem>>) src(%arg6 : memref<128x128xf32, #tpu.memory_space<vmem>>) dst(%dma_wait3A_40 : memref<128x128xf32, #tpu.memory_space<vmem_shared>>)
      tpu.yield
    }) : () -> ()
    %mul3A_13 = arith.constant 640 : i32
    %mul3A_14 = arith.muli %arg1, %mul3A_13 : i32
    %add3A_15 = arith.constant 256 : i32
    %add3A_16 = arith.addi %mul3A_14, %add3A_15 : i32
    "tpu.region"() ({
      %run_scoped3A = tpu.sem_alloc : memref<!tpu.dma_semaphore, #tpu.memory_space<semaphore_mem>>
      %dma_start3A = arith.constant 0 : i32
      %dma_start3A_35 = tpu.memref_slice %arg9[%add3A_16, %dma_start3A] : memref<10240x128xf32, #tpu.memory_space<vmem_shared>> -> memref<128x128xf32, #tpu.memory_space<vmem_shared>>
      %dma_start3A_36 = arith.constant 0 : i32
      %dma_start3A_37 = tpu.memref_slice %arg9[%add3A_16, %dma_start3A_36] : memref<10240x128xf32, #tpu.memory_space<vmem_shared>> -> memref<128x128xf32, #tpu.memory_space<vmem_shared>>
      tpu.enqueue_dma source(%arg6 : memref<128x128xf32, #tpu.memory_space<vmem>>) target(%dma_start3A_37 : memref<128x128xf32, #tpu.memory_space<vmem_shared>>) target_semaphore(%run_scoped3A : memref<!tpu.dma_semaphore, #tpu.memory_space<semaphore_mem>>)
      %dma_wait3A = arith.constant 0 : i32
      %dma_wait3A_38 = tpu.memref_slice %arg9[%add3A_16, %dma_wait3A] : memref<10240x128xf32, #tpu.memory_space<vmem_shared>> -> memref<128x128xf32, #tpu.memory_space<vmem_shared>>
      %dma_wait3A_39 = arith.constant 0 : i32
      %dma_wait3A_40 = tpu.memref_slice %arg9[%add3A_16, %dma_wait3A_39] : memref<10240x128xf32, #tpu.memory_space<vmem_shared>> -> memref<128x128xf32, #tpu.memory_space<vmem_shared>>
      tpu.wait_dma2 semaphore(%run_scoped3A : memref<!tpu.dma_semaphore, #tpu.memory_space<semaphore_mem>>) src(%arg6 : memref<128x128xf32, #tpu.memory_space<vmem>>) dst(%dma_wait3A_40 : memref<128x128xf32, #tpu.memory_space<vmem_shared>>)
      tpu.yield
    }) : () -> ()
    %mul3A_17 = arith.constant 640 : i32
    %mul3A_18 = arith.muli %arg1, %mul3A_17 : i32
    %add3A_19 = arith.constant 384 : i32
    %add3A_20 = arith.addi %mul3A_18, %add3A_19 : i32
    "tpu.region"() ({
      %run_scoped3A = tpu.sem_alloc : memref<!tpu.dma_semaphore, #tpu.memory_space<semaphore_mem>>
      %dma_start3A = arith.constant 0 : i32
      %dma_start3A_35 = tpu.memref_slice %arg9[%add3A_20, %dma_start3A] : memref<10240x128xf32, #tpu.memory_space<vmem_shared>> -> memref<128x128xf32, #tpu.memory_space<vmem_shared>>
      %dma_start3A_36 = arith.constant 0 : i32
      %dma_start3A_37 = tpu.memref_slice %arg9[%add3A_20, %dma_start3A_36] : memref<10240x128xf32, #tpu.memory_space<vmem_shared>> -> memref<128x128xf32, #tpu.memory_space<vmem_shared>>
      tpu.enqueue_dma source(%arg6 : memref<128x128xf32, #tpu.memory_space<vmem>>) target(%dma_start3A_37 : memref<128x128xf32, #tpu.memory_space<vmem_shared>>) target_semaphore(%run_scoped3A : memref<!tpu.dma_semaphore, #tpu.memory_space<semaphore_mem>>)
      %dma_wait3A = arith.constant 0 : i32
      %dma_wait3A_38 = tpu.memref_slice %arg9[%add3A_20, %dma_wait3A] : memref<10240x128xf32, #tpu.memory_space<vmem_shared>> -> memref<128x128xf32, #tpu.memory_space<vmem_shared>>
      %dma_wait3A_39 = arith.constant 0 : i32
      %dma_wait3A_40 = tpu.memref_slice %arg9[%add3A_20, %dma_wait3A_39] : memref<10240x128xf32, #tpu.memory_space<vmem_shared>> -> memref<128x128xf32, #tpu.memory_space<vmem_shared>>
      tpu.wait_dma2 semaphore(%run_scoped3A : memref<!tpu.dma_semaphore, #tpu.memory_space<semaphore_mem>>) src(%arg6 : memref<128x128xf32, #tpu.memory_space<vmem>>) dst(%dma_wait3A_40 : memref<128x128xf32, #tpu.memory_space<vmem_shared>>)
      tpu.yield
    }) : () -> ()
    %mul3A_21 = arith.constant 640 : i32
    %mul3A_22 = arith.muli %arg1, %mul3A_21 : i32
    %add3A_23 = arith.constant 512 : i32
    %add3A_24 = arith.addi %mul3A_22, %add3A_23 : i32
    "tpu.region"() ({
      %run_scoped3A = tpu.sem_alloc : memref<!tpu.dma_semaphore, #tpu.memory_space<semaphore_mem>>
      %dma_start3A = arith.constant 0 : i32
      %dma_start3A_35 = tpu.memref_slice %arg9[%add3A_24, %dma_start3A] : memref<10240x128xf32, #tpu.memory_space<vmem_shared>> -> memref<128x128xf32, #tpu.memory_space<vmem_shared>>
      %dma_start3A_36 = arith.constant 0 : i32
      %dma_start3A_37 = tpu.memref_slice %arg9[%add3A_24, %dma_start3A_36] : memref<10240x128xf32, #tpu.memory_space<vmem_shared>> -> memref<128x128xf32, #tpu.memory_space<vmem_shared>>
      tpu.enqueue_dma source(%arg6 : memref<128x128xf32, #tpu.memory_space<vmem>>) target(%dma_start3A_37 : memref<128x128xf32, #tpu.memory_space<vmem_shared>>) target_semaphore(%run_scoped3A : memref<!tpu.dma_semaphore, #tpu.memory_space<semaphore_mem>>)
      %dma_wait3A = arith.constant 0 : i32
      %dma_wait3A_38 = tpu.memref_slice %arg9[%add3A_24, %dma_wait3A] : memref<10240x128xf32, #tpu.memory_space<vmem_shared>> -> memref<128x128xf32, #tpu.memory_space<vmem_shared>>
      %dma_wait3A_39 = arith.constant 0 : i32
      %dma_wait3A_40 = tpu.memref_slice %arg9[%add3A_24, %dma_wait3A_39] : memref<10240x128xf32, #tpu.memory_space<vmem_shared>> -> memref<128x128xf32, #tpu.memory_space<vmem_shared>>
      tpu.wait_dma2 semaphore(%run_scoped3A : memref<!tpu.dma_semaphore, #tpu.memory_space<semaphore_mem>>) src(%arg6 : memref<128x128xf32, #tpu.memory_space<vmem>>) dst(%dma_wait3A_40 : memref<128x128xf32, #tpu.memory_space<vmem_shared>>)
      tpu.yield
    }) : () -> ()
    %barrier3A = arith.constant 0 : index
    tpu.barrier barrier_id(%barrier3A)
    %scan3A_25 = arith.constant 0 : i32
    %scan3A_26 = arith.constant 79 : i32
    %scan3A_27 = arith.addi %scan3A_25, %scan3A_26 : i32
    %scan3A_28 = arith.constant 1 : i32
    scf.for %scan3A_35 = %scan3A_25 to %scan3A_27 step %scan3A_28  : i32 {
      "tpu.region"() ({
        %run_scoped3A = tpu.sem_alloc : memref<!tpu.dma_semaphore, #tpu.memory_space<semaphore_mem>>
        %dma_start3A_40 = arith.constant 0 : i32
        %dma_start3A_41 = tpu.memref_slice %arg3[%add3A, %scan3A_35, %dma_start3A_40] : memref<32x79x128xi32, #tpu.memory_space<hbm>> -> memref<1x1x128xi32, #tpu.memory_space<hbm>>
        %dma_start3A_42 = tpu.memref_squeeze %dma_start3A_41 : memref<1x1x128xi32, #tpu.memory_space<hbm>> -> memref<128xi32, #tpu.memory_space<hbm>>
        %dma_start3A_43 = arith.constant 0 : i32
        %dma_start3A_44 = tpu.memref_slice %arg3[%add3A, %scan3A_35, %dma_start3A_43] : memref<32x79x128xi32, #tpu.memory_space<hbm>> -> memref<1x1x128xi32, #tpu.memory_space<hbm>>
        %dma_start3A_45 = tpu.memref_squeeze %dma_start3A_44 : memref<1x1x128xi32, #tpu.memory_space<hbm>> -> memref<128xi32, #tpu.memory_space<hbm>>
        tpu.enqueue_dma source(%dma_start3A_45 : memref<128xi32, #tpu.memory_space<hbm>>) target(%arg7 : memref<128xi32, #tpu.memory_space<vmem>>) target_semaphore(%run_scoped3A : memref<!tpu.dma_semaphore, #tpu.memory_space<semaphore_mem>>)
        %dma_wait3A_46 = arith.constant 0 : i32
        %dma_wait3A_47 = tpu.memref_slice %arg3[%add3A, %scan3A_35, %dma_wait3A_46] : memref<32x79x128xi32, #tpu.memory_space<hbm>> -> memref<1x1x128xi32, #tpu.memory_space<hbm>>
        %dma_wait3A_48 = tpu.memref_squeeze %dma_wait3A_47 : memref<1x1x128xi32, #tpu.memory_space<hbm>> -> memref<128xi32, #tpu.memory_space<hbm>>
        %dma_wait3A_49 = arith.constant 0 : i32
        %dma_wait3A_50 = tpu.memref_slice %arg3[%add3A, %scan3A_35, %dma_wait3A_49] : memref<32x79x128xi32, #tpu.memory_space<hbm>> -> memref<1x1x128xi32, #tpu.memory_space<hbm>>
        %dma_wait3A_51 = tpu.memref_squeeze %dma_wait3A_50 : memref<1x1x128xi32, #tpu.memory_space<hbm>> -> memref<128xi32, #tpu.memory_space<hbm>>
        tpu.wait_dma2 semaphore(%run_scoped3A : memref<!tpu.dma_semaphore, #tpu.memory_space<semaphore_mem>>) src(%dma_wait3A_51 : memref<128xi32, #tpu.memory_space<hbm>>) dst(%arg7 : memref<128xi32, #tpu.memory_space<vmem>>)
        tpu.yield
      }) : () -> ()
      "tpu.region"() ({
        %run_scoped3A = tpu.sem_alloc : memref<!tpu.dma_semaphore, #tpu.memory_space<semaphore_mem>>
        %dma_start3A_40 = arith.constant 0 : i32
        %dma_start3A_41 = tpu.memref_slice %arg4[%add3A, %scan3A_35, %dma_start3A_40] : memref<32x79x128xi32, #tpu.memory_space<hbm>> -> memref<1x1x128xi32, #tpu.memory_space<hbm>>
        %dma_start3A_42 = tpu.memref_squeeze %dma_start3A_41 : memref<1x1x128xi32, #tpu.memory_space<hbm>> -> memref<128xi32, #tpu.memory_space<hbm>>
        %dma_start3A_43 = arith.constant 0 : i32
        %dma_start3A_44 = tpu.memref_slice %arg4[%add3A, %scan3A_35, %dma_start3A_43] : memref<32x79x128xi32, #tpu.memory_space<hbm>> -> memref<1x1x128xi32, #tpu.memory_space<hbm>>
        %dma_start3A_45 = tpu.memref_squeeze %dma_start3A_44 : memref<1x1x128xi32, #tpu.memory_space<hbm>> -> memref<128xi32, #tpu.memory_space<hbm>>
        tpu.enqueue_dma source(%dma_start3A_45 : memref<128xi32, #tpu.memory_space<hbm>>) target(%arg8 : memref<128xi32, #tpu.memory_space<vmem>>) target_semaphore(%run_scoped3A : memref<!tpu.dma_semaphore, #tpu.memory_space<semaphore_mem>>)
        %dma_wait3A_46 = arith.constant 0 : i32
        %dma_wait3A_47 = tpu.memref_slice %arg4[%add3A, %scan3A_35, %dma_wait3A_46] : memref<32x79x128xi32, #tpu.memory_space<hbm>> -> memref<1x1x128xi32, #tpu.memory_space<hbm>>
        %dma_wait3A_48 = tpu.memref_squeeze %dma_wait3A_47 : memref<1x1x128xi32, #tpu.memory_space<hbm>> -> memref<128xi32, #tpu.memory_space<hbm>>
        %dma_wait3A_49 = arith.constant 0 : i32
        %dma_wait3A_50 = tpu.memref_slice %arg4[%add3A, %scan3A_35, %dma_wait3A_49] : memref<32x79x128xi32, #tpu.memory_space<hbm>> -> memref<1x1x128xi32, #tpu.memory_space<hbm>>
        %dma_wait3A_51 = tpu.memref_squeeze %dma_wait3A_50 : memref<1x1x128xi32, #tpu.memory_space<hbm>> -> memref<128xi32, #tpu.memory_space<hbm>>
        tpu.wait_dma2 semaphore(%run_scoped3A : memref<!tpu.dma_semaphore, #tpu.memory_space<semaphore_mem>>) src(%dma_wait3A_51 : memref<128xi32, #tpu.memory_space<hbm>>) dst(%arg8 : memref<128xi32, #tpu.memory_space<vmem>>)
        tpu.yield
      }) : () -> ()
      %dma_start3A = arith.constant 0 : i32
      %dma_start3A_36 = arith.constant 0 : i32
      %dma_start3A_37 = tpu.memref_slice %arg2[%dma_start3A, %dma_start3A_36] : memref<10000x128xf32, #tpu.memory_space<hbm>> -> memref<10000x128xf32, #tpu.memory_space<hbm>>
      tpu.enqueue_indirect_dma source(%dma_start3A_37 : memref<10000x128xf32, #tpu.memory_space<hbm>>) target(%arg6 : memref<128x128xf32, #tpu.memory_space<vmem>>) offsets(%arg7 : memref<128xi32, #tpu.memory_space<vmem>>) semaphore(%arg10 : memref<!tpu.dma_semaphore, #tpu.memory_space<semaphore_mem>>)
      %dma_wait3A = arith.constant 0 : i32
      %dma_wait3A_38 = arith.constant 0 : i32
      %dma_wait3A_39 = tpu.memref_slice %arg2[%dma_wait3A, %dma_wait3A_38] : memref<10000x128xf32, #tpu.memory_space<hbm>> -> memref<10000x128xf32, #tpu.memory_space<hbm>>
      tpu.wait_indirect_dma semaphore(%arg10 : memref<!tpu.dma_semaphore, #tpu.memory_space<semaphore_mem>>) src(%dma_wait3A_39 : memref<10000x128xf32, #tpu.memory_space<hbm>>) dst(%arg6 : memref<128x128xf32, #tpu.memory_space<vmem>>)
      "tpu.region"() ({
        %run_scoped3A = tpu.sem_alloc : memref<!tpu.dma_semaphore, #tpu.memory_space<semaphore_mem>>
        %dma_start3A_40 = arith.constant 0 : i32
        %dma_start3A_41 = arith.constant 0 : i32
        %dma_start3A_42 = tpu.memref_slice %arg9[%dma_start3A_40, %dma_start3A_41] : memref<10240x128xf32, #tpu.memory_space<vmem_shared>> -> memref<10240x128xf32, #tpu.memory_space<vmem_shared>>
        tpu.enqueue_indirect_dma source(%arg6 : memref<128x128xf32, #tpu.memory_space<vmem>>) target(%dma_start3A_42 : memref<10240x128xf32, #tpu.memory_space<vmem_shared>>) offsets(%arg8 : memref<128xi32, #tpu.memory_space<vmem>>) semaphore(%run_scoped3A : memref<!tpu.dma_semaphore, #tpu.memory_space<semaphore_mem>>) {add = true}
        %dma_wait3A_43 = arith.constant 0 : i32
        %dma_wait3A_44 = arith.constant 0 : i32
        %dma_wait3A_45 = tpu.memref_slice %arg9[%dma_wait3A_43, %dma_wait3A_44] : memref<10240x128xf32, #tpu.memory_space<vmem_shared>> -> memref<10240x128xf32, #tpu.memory_space<vmem_shared>>
        tpu.wait_indirect_dma semaphore(%run_scoped3A : memref<!tpu.dma_semaphore, #tpu.memory_space<semaphore_mem>>) src(%arg6 : memref<128x128xf32, #tpu.memory_space<vmem>>) dst(%dma_wait3A_45 : memref<10240x128xf32, #tpu.memory_space<vmem_shared>>)
        tpu.yield
      }) : () -> ()
    }
    %scan3A_29 = arith.constant 79 : i32
    %barrier3A_30 = arith.constant 0 : index
    tpu.barrier barrier_id(%barrier3A_30)
    %mul3A_31 = arith.constant 640 : i32
    %mul3A_32 = arith.muli %arg1, %mul3A_31 : i32
    %mul3A_33 = arith.constant 640 : i32
    %mul3A_34 = arith.muli %arg1, %mul3A_33 : i32
    "tpu.region"() ({
      %run_scoped3A = tpu.sem_alloc : memref<!tpu.dma_semaphore, #tpu.memory_space<semaphore_mem>>
      %dma_start3A = arith.constant 0 : i32
      %dma_start3A_35 = tpu.memref_slice %arg5[%arg0, %mul3A_34, %dma_start3A] : memref<2x10240x128xf32, #tpu.memory_space<hbm>> -> memref<1x640x128xf32, #tpu.memory_space<hbm>>
      %dma_start3A_36 = tpu.memref_squeeze %dma_start3A_35 : memref<1x640x128xf32, #tpu.memory_space<hbm>> -> memref<640x128xf32, #tpu.memory_space<hbm>>
      %dma_start3A_37 = arith.constant 0 : i32
      %dma_start3A_38 = tpu.memref_slice %arg9[%mul3A_32, %dma_start3A_37] : memref<10240x128xf32, #tpu.memory_space<vmem_shared>> -> memref<640x128xf32, #tpu.memory_space<vmem_shared>>
      tpu.enqueue_dma source(%dma_start3A_38 : memref<640x128xf32, #tpu.memory_space<vmem_shared>>) target(%dma_start3A_36 : memref<640x128xf32, #tpu.memory_space<hbm>>) target_semaphore(%run_scoped3A : memref<!tpu.dma_semaphore, #tpu.memory_space<semaphore_mem>>)
      %dma_wait3A = arith.constant 0 : i32
      %dma_wait3A_39 = tpu.memref_slice %arg5[%arg0, %mul3A_34, %dma_wait3A] : memref<2x10240x128xf32, #tpu.memory_space<hbm>> -> memref<1x640x128xf32, #tpu.memory_space<hbm>>
      %dma_wait3A_40 = tpu.memref_squeeze %dma_wait3A_39 : memref<1x640x128xf32, #tpu.memory_space<hbm>> -> memref<640x128xf32, #tpu.memory_space<hbm>>
      %dma_wait3A_41 = arith.constant 0 : i32
      %dma_wait3A_42 = tpu.memref_slice %arg9[%mul3A_32, %dma_wait3A_41] : memref<10240x128xf32, #tpu.memory_space<vmem_shared>> -> memref<640x128xf32, #tpu.memory_space<vmem_shared>>
      tpu.wait_dma2 semaphore(%run_scoped3A : memref<!tpu.dma_semaphore, #tpu.memory_space<semaphore_mem>>) src(%dma_wait3A_42 : memref<640x128xf32, #tpu.memory_space<vmem_shared>>) dst(%dma_wait3A_40 : memref<640x128xf32, #tpu.memory_space<hbm>>)
      tpu.yield
    }) : () -> ()
    return
  }
}

module attributes {stable_mosaic.version = 14 : i64} {
  func.func @_tc1_body(%arg0: i32, %arg1: memref<1000x128xf32, #tpu.memory_space<vmem>>, %arg2: memref<128x128xf32, #tpu.memory_space<vmem>>, %arg3: memref<2x1000x128xf32, #tpu.memory_space<vmem>>, %arg4: memref<1000x128xf32, #tpu.memory_space<vmem>>) attributes {dimension_semantics = [#tpu.dimension_semantics<arbitrary>], iteration_bounds = array<i64: 10>, scalar_prefetch = 0 : i64, scratch_operands = 0 : i64, tpu.core_type = #tpu.core_type<tc>, window_params = [{transform_indices = @transform_0, window_bounds = array<i64: 1000, 128>}, {pipeline_mode = #tpu.pipeline_mode<synchronous>, transform_indices = @transform_1, window_bounds = array<i64: 128, 128>}, {transform_indices = @transform_2, window_bounds = array<i64: 2, 1000, 128>}, {transform_indices = @transform_3, window_bounds = array<i64: 1000, 128>}]} {
    %get3A = arith.constant 0 : index
    %get3A_0 = arith.constant 0 : index
    %get3A_1 = arith.constant 0 : index
    %get3A_2 = vector.load %arg3[%get3A, %get3A_0, %get3A_1] : memref<2x1000x128xf32, #tpu.memory_space<vmem>>, vector<1x1000x1xf32>
    %get3A_3 = vector.shape_cast %get3A_2 : vector<1x1000x1xf32> to vector<1000x1xf32>
    %get3A_4 = arith.constant 1 : index
    %get3A_5 = arith.constant 0 : index
    %get3A_6 = arith.constant 0 : index
    %get3A_7 = vector.load %arg3[%get3A_4, %get3A_5, %get3A_6] : memref<2x1000x128xf32, #tpu.memory_space<vmem>>, vector<1x1000x1xf32>
    %get3A_8 = vector.shape_cast %get3A_7 : vector<1x1000x1xf32> to vector<1000x1xf32>
    %add3A = arith.addf %get3A_3, %get3A_8 : vector<1000x1xf32>
    %add3A_9 = arith.constant 1.000000e+00 : f32
    %add3A_10 = vector.broadcast %add3A_9 : f32 to vector<1000x1xf32>
    %add3A_11 = arith.addf %add3A, %add3A_10 : vector<1000x1xf32>
    %rsqrt3A = math.rsqrt %add3A_11 : vector<1000x1xf32>
    %get3A_12 = arith.constant 0 : index
    %get3A_13 = arith.constant 0 : index
    %get3A_14 = vector.load %arg1[%get3A_12, %get3A_13] : memref<1000x128xf32, #tpu.memory_space<vmem>>, vector<1000x128xf32>
    %get3A_15 = arith.constant 0 : index
    %get3A_16 = arith.constant 0 : index
    %get3A_17 = vector.load %arg2[%get3A_15, %get3A_16] : memref<128x128xf32, #tpu.memory_space<vmem>>, vector<128x128xf32>
    %dot_general3A = arith.constant dense<0.000000e+00> : vector<1000x128xf32>
    %dot_general3A_18 = tpu.matmul %get3A_14, %get3A_17, %dot_general3A {dimension_numbers = #tpu.dot_dimension_numbers<[1], [0], [0], [1], [0, 0, 1, 1], [], []>, transpose_lhs_hint = false} : vector<1000x128xf32>, vector<128x128xf32>, vector<1000x128xf32> -> vector<1000x128xf32>
    %mul3A = vector.broadcast %rsqrt3A : vector<1000x1xf32> to vector<1000x128xf32>
    %mul3A_19 = arith.mulf %dot_general3A_18, %mul3A : vector<1000x128xf32>
    %swap3A = arith.constant 0 : index
    %swap3A_20 = arith.constant 0 : index
    %swap3A_21 = vector.load %arg4[%swap3A, %swap3A_20] : memref<1000x128xf32, #tpu.memory_space<vmem>>, vector<1000x128xf32>
    tpu.vector_store %arg4[%swap3A, %swap3A_20], %mul3A_19 {strides = array<i32>} : memref<1000x128xf32, #tpu.memory_space<vmem>>, vector<1000x128xf32>,
    return
  }
  func.func @transform_0(%arg0: i32) -> (i32, i32) {
    %c0_i32 = arith.constant 0 : i32
    %c0_i32_0 = arith.constant 0 : i32
    return %arg0, %c0_i32 : i32, i32
  }
  func.func @transform_1(%arg0: i32) -> (i32, i32) {
    %c0_i32 = arith.constant 0 : i32
    %c0_i32_0 = arith.constant 0 : i32
    %c0_i32_1 = arith.constant 0 : i32
    return %c0_i32, %c0_i32_0 : i32, i32
  }
  func.func @transform_2(%arg0: i32) -> (i32, i32, i32) {
    %c0_i32 = arith.constant 0 : i32
    %c0_i32_0 = arith.constant 0 : i32
    %c0_i32_1 = arith.constant 0 : i32
    return %c0_i32, %arg0, %c0_i32_0 : i32, i32, i32
  }
  func.func @transform_3(%arg0: i32) -> (i32, i32) {
    %c0_i32 = arith.constant 0 : i32
    %c0_i32_0 = arith.constant 0 : i32
    return %arg0, %c0_i32 : i32, i32
  }
}

module attributes {stable_mosaic.version = 14 : i64} {
  func.func @_tc2_body(%arg0: i32, %arg1: memref<2x1000x128xf32, #tpu.memory_space<vmem>>, %arg2: memref<1000x128xf32, #tpu.memory_space<vmem>>, %arg3: memref<2x1000x128xf32, #tpu.memory_space<vmem>>, %arg4: memref<1x128xf32, #tpu.memory_space<vmem>>, %arg5: memref<128x128xf32, #tpu.memory_space<vmem>>, %arg6: memref<1000x128xf32, #tpu.memory_space<vmem>>) attributes {dimension_semantics = [#tpu.dimension_semantics<arbitrary>], iteration_bounds = array<i64: 10>, scalar_prefetch = 0 : i64, scratch_operands = 0 : i64, tpu.core_type = #tpu.core_type<tc>, window_params = [{transform_indices = @transform_0, window_bounds = array<i64: 2, 1000, 128>}, {transform_indices = @transform_1, window_bounds = array<i64: 1000, 128>}, {transform_indices = @transform_2, window_bounds = array<i64: 2, 1000, 128>}, {pipeline_mode = #tpu.pipeline_mode<synchronous>, transform_indices = @transform_3, window_bounds = array<i64: 1, 128>}, {pipeline_mode = #tpu.pipeline_mode<synchronous>, transform_indices = @transform_4, window_bounds = array<i64: 128, 128>}, {transform_indices = @transform_5, window_bounds = array<i64: 1000, 128>}]} {
    %get3A = arith.constant 0 : index
    %get3A_0 = arith.constant 0 : index
    %get3A_1 = arith.constant 0 : index
    %get3A_2 = vector.load %arg3[%get3A, %get3A_0, %get3A_1] : memref<2x1000x128xf32, #tpu.memory_space<vmem>>, vector<1x1000x1xf32>
    %get3A_3 = vector.shape_cast %get3A_2 : vector<1x1000x1xf32> to vector<1000x1xf32>
    %get3A_4 = arith.constant 1 : index
    %get3A_5 = arith.constant 0 : index
    %get3A_6 = arith.constant 0 : index
    %get3A_7 = vector.load %arg3[%get3A_4, %get3A_5, %get3A_6] : memref<2x1000x128xf32, #tpu.memory_space<vmem>>, vector<1x1000x1xf32>
    %get3A_8 = vector.shape_cast %get3A_7 : vector<1x1000x1xf32> to vector<1000x1xf32>
    %add3A = arith.addf %get3A_3, %get3A_8 : vector<1000x1xf32>
    %add3A_9 = arith.constant 1.000000e+00 : f32
    %add3A_10 = vector.broadcast %add3A_9 : f32 to vector<1000x1xf32>
    %add3A_11 = arith.addf %add3A, %add3A_10 : vector<1000x1xf32>
    %rsqrt3A = math.rsqrt %add3A_11 : vector<1000x1xf32>
    %get3A_12 = arith.constant 0 : index
    %get3A_13 = arith.constant 0 : index
    %get3A_14 = arith.constant 0 : index
    %get3A_15 = vector.load %arg1[%get3A_12, %get3A_13, %get3A_14] : memref<2x1000x128xf32, #tpu.memory_space<vmem>>, vector<1x1000x128xf32>
    %get3A_16 = vector.shape_cast %get3A_15 : vector<1x1000x128xf32> to vector<1000x128xf32>
    %get3A_17 = arith.constant 1 : index
    %get3A_18 = arith.constant 0 : index
    %get3A_19 = arith.constant 0 : index
    %get3A_20 = vector.load %arg1[%get3A_17, %get3A_18, %get3A_19] : memref<2x1000x128xf32, #tpu.memory_space<vmem>>, vector<1x1000x128xf32>
    %get3A_21 = vector.shape_cast %get3A_20 : vector<1x1000x128xf32> to vector<1000x128xf32>
    %add3A_22 = arith.addf %get3A_16, %get3A_21 : vector<1000x128xf32>
    %get3A_23 = arith.constant 0 : index
    %get3A_24 = arith.constant 0 : index
    %get3A_25 = vector.load %arg2[%get3A_23, %get3A_24] : memref<1000x128xf32, #tpu.memory_space<vmem>>, vector<1000x128xf32>
    %add3A_26 = arith.addf %add3A_22, %get3A_25 : vector<1000x128xf32>
    %mul3A = vector.broadcast %rsqrt3A : vector<1000x1xf32> to vector<1000x128xf32>
    %mul3A_27 = arith.mulf %mul3A, %add3A_26 : vector<1000x128xf32>
    %get3A_28 = arith.constant 0 : index
    %get3A_29 = arith.constant 0 : index
    %get3A_30 = vector.load %arg4[%get3A_28, %get3A_29] : memref<1x128xf32, #tpu.memory_space<vmem>>, vector<1x128xf32>
    %add3A_31 = vector.broadcast %get3A_30 : vector<1x128xf32> to vector<1000x128xf32>
    %add3A_32 = arith.addf %mul3A_27, %add3A_31 : vector<1000x128xf32>
    %max3A = arith.constant 0.000000e+00 : f32
    %max3A_33 = vector.broadcast %max3A : f32 to vector<1000x128xf32>
    %max3A_34 = arith.maximumf %add3A_32, %max3A_33 : vector<1000x128xf32>
    %get3A_35 = arith.constant 0 : index
    %get3A_36 = arith.constant 0 : index
    %get3A_37 = vector.load %arg5[%get3A_35, %get3A_36] : memref<128x128xf32, #tpu.memory_space<vmem>>, vector<128x128xf32>
    %dot_general3A = arith.constant dense<0.000000e+00> : vector<1000x128xf32>
    %dot_general3A_38 = tpu.matmul %max3A_34, %get3A_37, %dot_general3A {dimension_numbers = #tpu.dot_dimension_numbers<[1], [0], [0], [1], [0, 0, 1, 1], [], []>, transpose_lhs_hint = false} : vector<1000x128xf32>, vector<128x128xf32>, vector<1000x128xf32> -> vector<1000x128xf32>
    %mul3A_39 = vector.broadcast %rsqrt3A : vector<1000x1xf32> to vector<1000x128xf32>
    %mul3A_40 = arith.mulf %dot_general3A_38, %mul3A_39 : vector<1000x128xf32>
    %swap3A = arith.constant 0 : index
    %swap3A_41 = arith.constant 0 : index
    %swap3A_42 = vector.load %arg6[%swap3A, %swap3A_41] : memref<1000x128xf32, #tpu.memory_space<vmem>>, vector<1000x128xf32>
    tpu.vector_store %arg6[%swap3A, %swap3A_41], %mul3A_40 {strides = array<i32>} : memref<1000x128xf32, #tpu.memory_space<vmem>>, vector<1000x128xf32>,
    return
  }
  func.func @transform_0(%arg0: i32) -> (i32, i32, i32) {
    %c0_i32 = arith.constant 0 : i32
    %c0_i32_0 = arith.constant 0 : i32
    %c0_i32_1 = arith.constant 0 : i32
    return %c0_i32, %arg0, %c0_i32_0 : i32, i32, i32
  }
  func.func @transform_1(%arg0: i32) -> (i32, i32) {
    %c0_i32 = arith.constant 0 : i32
    %c0_i32_0 = arith.constant 0 : i32
    return %arg0, %c0_i32 : i32, i32
  }
  func.func @transform_2(%arg0: i32) -> (i32, i32, i32) {
    %c0_i32 = arith.constant 0 : i32
    %c0_i32_0 = arith.constant 0 : i32
    %c0_i32_1 = arith.constant 0 : i32
    return %c0_i32, %arg0, %c0_i32_0 : i32, i32, i32
  }
  func.func @transform_3(%arg0: i32) -> (i32, i32) {
    %c0_i32 = arith.constant 0 : i32
    %c0_i32_0 = arith.constant 0 : i32
    %c0_i32_1 = arith.constant 0 : i32
    return %c0_i32, %c0_i32_0 : i32, i32
  }
  func.func @transform_4(%arg0: i32) -> (i32, i32) {
    %c0_i32 = arith.constant 0 : i32
    %c0_i32_0 = arith.constant 0 : i32
    %c0_i32_1 = arith.constant 0 : i32
    return %c0_i32, %c0_i32_0 : i32, i32
  }
  func.func @transform_5(%arg0: i32) -> (i32, i32) {
    %c0_i32 = arith.constant 0 : i32
    %c0_i32_0 = arith.constant 0 : i32
    return %arg0, %c0_i32 : i32, i32
  }
}

module attributes {stable_mosaic.version = 14 : i64} {
  func.func @_tc3_body(%arg0: i32, %arg1: memref<2x1000x128xf32, #tpu.memory_space<vmem>>, %arg2: memref<1000x128xf32, #tpu.memory_space<vmem>>, %arg3: memref<2x1000x128xf32, #tpu.memory_space<vmem>>, %arg4: memref<1x128xf32, #tpu.memory_space<vmem>>, %arg5: memref<128x1xf32, #tpu.memory_space<vmem>>, %arg6: memref<1x1xf32, #tpu.memory_space<vmem>>, %arg7: memref<1x1xf32, #tpu.memory_space<vmem>>, %arg8: memref<1x128xf32, #tpu.memory_space<vmem>>) attributes {dimension_semantics = [#tpu.dimension_semantics<arbitrary>], iteration_bounds = array<i64: 10>, scalar_prefetch = 0 : i64, scratch_operands = 1 : i64, tpu.core_type = #tpu.core_type<tc>, window_params = [{transform_indices = @transform_0, window_bounds = array<i64: 2, 1000, 128>}, {transform_indices = @transform_1, window_bounds = array<i64: 1000, 128>}, {transform_indices = @transform_2, window_bounds = array<i64: 2, 1000, 128>}, {pipeline_mode = #tpu.pipeline_mode<synchronous>, transform_indices = @transform_3, window_bounds = array<i64: 1, 128>}, {pipeline_mode = #tpu.pipeline_mode<synchronous>, transform_indices = @transform_4, window_bounds = array<i64: 128, 1>}, {pipeline_mode = #tpu.pipeline_mode<synchronous>, transform_indices = @transform_5, window_bounds = array<i64: 1, 1>}, {pipeline_mode = #tpu.pipeline_mode<synchronous>, transform_indices = @transform_6, window_bounds = array<i64: 1, 1>}]} {
    %eq3A = arith.constant 0 : i32
    %eq3A_0 = arith.cmpi eq, %arg0, %eq3A : i32
    %convert_element_type3A = arith.extui %eq3A_0 : i1 to i32
    %cond3A = arith.constant 0 : i32
    %cond3A_1 = arith.cmpi ne, %convert_element_type3A, %cond3A : i32
    scf.if %cond3A_1 {
      %broadcast_in_dim3A_49 = arith.constant 0.000000e+00 : f32
      %broadcast_in_dim3A_50 = vector.broadcast %broadcast_in_dim3A_49 : f32 to vector<1x128xf32>
      %swap3A_51 = arith.constant 0 : index
      %swap3A_52 = arith.constant 0 : index
      %swap3A_53 = vector.load %arg8[%swap3A_51, %swap3A_52] : memref<1x128xf32, #tpu.memory_space<vmem>>, vector<1x128xf32>
      tpu.vector_store %arg8[%swap3A_51, %swap3A_52], %broadcast_in_dim3A_50 {strides = array<i32>} : memref<1x128xf32, #tpu.memory_space<vmem>>, vector<1x128xf32>,
    } else {
    }
    %get3A = arith.constant 0 : index
    %get3A_2 = arith.constant 0 : index
    %get3A_3 = arith.constant 0 : index
    %get3A_4 = vector.load %arg3[%get3A, %get3A_2, %get3A_3] : memref<2x1000x128xf32, #tpu.memory_space<vmem>>, vector<1x1000x1xf32>
    %get3A_5 = vector.shape_cast %get3A_4 : vector<1x1000x1xf32> to vector<1000x1xf32>
    %get3A_6 = arith.constant 1 : index
    %get3A_7 = arith.constant 0 : index
    %get3A_8 = arith.constant 0 : index
    %get3A_9 = vector.load %arg3[%get3A_6, %get3A_7, %get3A_8] : memref<2x1000x128xf32, #tpu.memory_space<vmem>>, vector<1x1000x1xf32>
    %get3A_10 = vector.shape_cast %get3A_9 : vector<1x1000x1xf32> to vector<1000x1xf32>
    %add3A = arith.addf %get3A_5, %get3A_10 : vector<1000x1xf32>
    %add3A_11 = arith.constant 1.000000e+00 : f32
    %add3A_12 = vector.broadcast %add3A_11 : f32 to vector<1000x1xf32>
    %add3A_13 = arith.addf %add3A, %add3A_12 : vector<1000x1xf32>
    %rsqrt3A = math.rsqrt %add3A_13 : vector<1000x1xf32>
    %get3A_14 = arith.constant 0 : index
    %get3A_15 = arith.constant 0 : index
    %get3A_16 = arith.constant 0 : index
    %get3A_17 = vector.load %arg1[%get3A_14, %get3A_15, %get3A_16] : memref<2x1000x128xf32, #tpu.memory_space<vmem>>, vector<1x1000x128xf32>
    %get3A_18 = vector.shape_cast %get3A_17 : vector<1x1000x128xf32> to vector<1000x128xf32>
    %get3A_19 = arith.constant 1 : index
    %get3A_20 = arith.constant 0 : index
    %get3A_21 = arith.constant 0 : index
    %get3A_22 = vector.load %arg1[%get3A_19, %get3A_20, %get3A_21] : memref<2x1000x128xf32, #tpu.memory_space<vmem>>, vector<1x1000x128xf32>
    %get3A_23 = vector.shape_cast %get3A_22 : vector<1x1000x128xf32> to vector<1000x128xf32>
    %add3A_24 = arith.addf %get3A_18, %get3A_23 : vector<1000x128xf32>
    %get3A_25 = arith.constant 0 : index
    %get3A_26 = arith.constant 0 : index
    %get3A_27 = vector.load %arg2[%get3A_25, %get3A_26] : memref<1000x128xf32, #tpu.memory_space<vmem>>, vector<1000x128xf32>
    %add3A_28 = arith.addf %add3A_24, %get3A_27 : vector<1000x128xf32>
    %mul3A = vector.broadcast %rsqrt3A : vector<1000x1xf32> to vector<1000x128xf32>
    %mul3A_29 = arith.mulf %mul3A, %add3A_28 : vector<1000x128xf32>
    %get3A_30 = arith.constant 0 : index
    %get3A_31 = arith.constant 0 : index
    %get3A_32 = vector.load %arg4[%get3A_30, %get3A_31] : memref<1x128xf32, #tpu.memory_space<vmem>>, vector<1x128xf32>
    %add3A_33 = vector.broadcast %get3A_32 : vector<1x128xf32> to vector<1000x128xf32>
    %add3A_34 = arith.addf %mul3A_29, %add3A_33 : vector<1000x128xf32>
    %max3A = arith.constant 0.000000e+00 : f32
    %max3A_35 = vector.broadcast %max3A : f32 to vector<1000x128xf32>
    %max3A_36 = arith.maximumf %add3A_34, %max3A_35 : vector<1000x128xf32>
    %get3A_37 = arith.constant 0 : index
    %get3A_38 = arith.constant 0 : index
    %get3A_39 = vector.load %arg8[%get3A_37, %get3A_38] : memref<1x128xf32, #tpu.memory_space<vmem>>, vector<1x128xf32>
    %reduce_sum3A = arith.constant dense<0.000000e+00> : vector<128xf32>
    %reduce_sum3A_40 = vector.multi_reduction <add>, %max3A_36, %reduce_sum3A [0] : vector<1000x128xf32> to vector<128xf32>
    %broadcast_in_dim3A = vector.shape_cast %reduce_sum3A_40 : vector<128xf32> to vector<1x128xf32>
    %add3A_41 = arith.addf %get3A_39, %broadcast_in_dim3A : vector<1x128xf32>
    %swap3A = arith.constant 0 : index
    %swap3A_42 = arith.constant 0 : index
    %swap3A_43 = vector.load %arg8[%swap3A, %swap3A_42] : memref<1x128xf32, #tpu.memory_space<vmem>>, vector<1x128xf32>
    tpu.vector_store %arg8[%swap3A, %swap3A_42], %add3A_41 {strides = array<i32>} : memref<1x128xf32, #tpu.memory_space<vmem>>, vector<1x128xf32>,
    %eq3A_44 = arith.constant 9 : i32
    %eq3A_45 = arith.cmpi eq, %arg0, %eq3A_44 : i32
    %convert_element_type3A_46 = arith.extui %eq3A_45 : i1 to i32
    %cond3A_47 = arith.constant 0 : i32
    %cond3A_48 = arith.cmpi ne, %convert_element_type3A_46, %cond3A_47 : i32
    scf.if %cond3A_48 {
      %get3A_49 = arith.constant 0 : index
      %get3A_50 = arith.constant 0 : index
      %get3A_51 = vector.load %arg8[%get3A_49, %get3A_50] : memref<1x128xf32, #tpu.memory_space<vmem>>, vector<1x128xf32>
      %mul3A_52 = arith.constant 9.99999974E-5 : f32
      %mul3A_53 = vector.broadcast %mul3A_52 : f32 to vector<1x128xf32>
      %mul3A_54 = arith.mulf %get3A_51, %mul3A_53 : vector<1x128xf32>
      %get3A_55 = arith.constant 0 : index
      %get3A_56 = arith.constant 0 : index
      %get3A_57 = vector.load %arg5[%get3A_55, %get3A_56] : memref<128x1xf32, #tpu.memory_space<vmem>>, vector<128x1xf32>
      %dot_general3A = arith.constant dense<0.000000e+00> : vector<1x1xf32>
      %dot_general3A_58 = tpu.matmul %mul3A_54, %get3A_57, %dot_general3A {dimension_numbers = #tpu.dot_dimension_numbers<[1], [0], [0], [1], [0, 0, 1, 1], [], []>, transpose_lhs_hint = false} : vector<1x128xf32>, vector<128x1xf32>, vector<1x1xf32> -> vector<1x1xf32>
      %get3A_59 = arith.constant 0 : index
      %get3A_60 = arith.constant 0 : index
      %get3A_61 = vector.load %arg6[%get3A_59, %get3A_60] : memref<1x1xf32, #tpu.memory_space<vmem>>, vector<1x1xf32>
      %add3A_62 = arith.addf %dot_general3A_58, %get3A_61 : vector<1x1xf32>
      %logistic3A = arith.negf %add3A_62 : vector<1x1xf32>
      %logistic3A_63 = math.exp %logistic3A : vector<1x1xf32>
      %logistic3A_64 = arith.constant 1.000000e+00 : f32
      %logistic3A_65 = vector.broadcast %logistic3A_64 : f32 to vector<1x1xf32>
      %logistic3A_66 = arith.addf %logistic3A_65, %logistic3A_63 : vector<1x1xf32>
      %logistic3A_67 = arith.divf %logistic3A_65, %logistic3A_66 : vector<1x1xf32>
      %swap3A_68 = arith.constant 0 : index
      %swap3A_69 = arith.constant 0 : index
      %swap3A_70 = vector.load %arg7[%swap3A_68, %swap3A_69] : memref<1x1xf32, #tpu.memory_space<vmem>>, vector<1x1xf32>
      tpu.vector_store %arg7[%swap3A_68, %swap3A_69], %logistic3A_67 {strides = array<i32>} : memref<1x1xf32, #tpu.memory_space<vmem>>, vector<1x1xf32>,
    } else {
    }
    return
  }
  func.func @transform_0(%arg0: i32) -> (i32, i32, i32) {
    %c0_i32 = arith.constant 0 : i32
    %c0_i32_0 = arith.constant 0 : i32
    %c0_i32_1 = arith.constant 0 : i32
    return %c0_i32, %arg0, %c0_i32_0 : i32, i32, i32
  }
  func.func @transform_1(%arg0: i32) -> (i32, i32) {
    %c0_i32 = arith.constant 0 : i32
    %c0_i32_0 = arith.constant 0 : i32
    return %arg0, %c0_i32 : i32, i32
  }
  func.func @transform_2(%arg0: i32) -> (i32, i32, i32) {
    %c0_i32 = arith.constant 0 : i32
    %c0_i32_0 = arith.constant 0 : i32
    %c0_i32_1 = arith.constant 0 : i32
    return %c0_i32, %arg0, %c0_i32_0 : i32, i32, i32
  }
  func.func @transform_3(%arg0: i32) -> (i32, i32) {
    %c0_i32 = arith.constant 0 : i32
    %c0_i32_0 = arith.constant 0 : i32
    %c0_i32_1 = arith.constant 0 : i32
    return %c0_i32, %c0_i32_0 : i32, i32
  }
  func.func @transform_4(%arg0: i32) -> (i32, i32) {
    %c0_i32 = arith.constant 0 : i32
    %c0_i32_0 = arith.constant 0 : i32
    %c0_i32_1 = arith.constant 0 : i32
    return %c0_i32, %c0_i32_0 : i32, i32
  }
  func.func @transform_5(%arg0: i32) -> (i32, i32) {
    %c0_i32 = arith.constant 0 : i32
    %c0_i32_0 = arith.constant 0 : i32
    %c0_i32_1 = arith.constant 0 : i32
    return %c0_i32, %c0_i32_0 : i32, i32
  }
  func.func @transform_6(%arg0: i32) -> (i32, i32) {
    %c0_i32 = arith.constant 0 : i32
    %c0_i32_0 = arith.constant 0 : i32
    %c0_i32_1 = arith.constant 0 : i32
    return %c0_i32, %c0_i32_0 : i32, i32
  }
}

</mosaic_0001>

<sc_bundles>
// kernel: kernel.11.cloned.1.call-start
scs
__scs_entry_jumppad:
0x0: {  	(pc) =	sbr.rel $0x88, $3  }
0x1: {  	(tag) =	ssettag $0x0;
	lr =	simm.s32 $0x1  }
0x2: {  	[smem:$0x3F99] =	sst lr;
	_ =	strace $0xD0000000  }
0x3: {  	_ = 	snop  }
0x4: {  	_ = 	snop  }
0x5: {  	_ = 	snop  }
0x6: {  	_ = 	snop  }
0x7: {  	_ = 	snop  }
__scs_overlays_trampoline_lowered:
0x8: {  	[smem:$0x3FA8] =	sst s0  }
0x9: {  	[smem:$0x3FA9] =	sst s1  }
0xa: {  	[smem:$0x3FAA] =	sst s2  }
0xb: {  	[smem:$0x3FAB] =	sst s3  }
0xc: {  	[smem:$0x3FAC] =	sst s4  }
0xd: {  	[smem:$0x3FAD] =	sst s5  }
0xe: {  	[smem:$0x3FAE] =	sst s6  }
0xf: {  	[smem:$0x3FAF] =	sst s7  }
0x10: {  	[smem:$0x3FB0] =	sst s8  }
0x11: {  	[smem:$0x3FB1] =	sst s9;
	s0 =	simm.s32 @!p0 $0x0  }
0x12: {  	s1 =	sld [smem:$0x3F97];
	s0 =	simm.s32 @p0 $0x1  }
0x13: {  	[smem:$0x3FB2] =	sst s0;
	s0 =	simm.s32 @!p1 $0x0  }
0x14: {  	s2 =	sld [smem:$0x3F96];
	s0 =	simm.s32 @p1 $0x1  }
0x15: {  	[smem:$0x3FB3] =	sst s0;
	s0 =	simm.s32 @!p2 $0x0  }
0x16: {  	s3 =	sld [smem:$0x3FDB];
	s0 =	simm.s32 @p2 $0x1  }
0x17: {  	s4 =	simm.s32 $0x1BF5;
	[smem:$0x3FB5] =	sst s0  }
0x18: {  	s0 =	sld [smem:$0x3F98];
	_ =	swait.ge [sflag:s4], $0x0  }
0x19: {  	s7 =	sld [smem:$0x3F99]  }
0x1a: {  	s8 =	sadd.s32 $0xFFFFE003, lr  }
0x1b: {  	s9 =	sadd.s32 $0xFFFFFEF7, lr;
	s5 =	simm.s32 $0xFFFFFFFF;
	p2 =	slt.u32 s8, $0xFFFFF086  }
0x1c: {  	p1 =	slt.u32 s9, $0xF7A;
	s5 =	simm.s32 @!p2 $0x0  }
0x1d: {  	s5 =	simm.s32 @p1 $0x1;
	p0 =	seq.s32 s7, s2  }
0x1e: {  	s7 =	smul.u32 @!p0 $0xF7A, s2;
	p2 =	seq.s32 @!p0 s5, $0x0  }
0x1f: {  	s9 =	smul.u32 $0xF7A, s1;
	s8 =	simm.s32 @!p0 $0x1BF5;
	p2 =	por !p2, p0  }
0x20: {  	[sflag:s8] =	ssyncset.s32 @!p0 $0xFFFFF086;
	s6 =	sadd.s32 @!p0 s3, s7;
	s7 =	simm.s32 @!p0 $0x108  }
0x21: {  	s3 =	sadd.s32 s3, s9;
	s6 =	sadd.s32 @!p0 $0x88, s6;
	s7 =	simm.s32 @p2 $0x1082  }
0x22: {  	[simem:s7], [sflag:s8] =	dma.local @!p0 [hbm:s6], $0xF7A  }
0x23: {  	s9 =	sor.u32 $0xD0000000, s2;
	s6 =	simm.s32 $0x108;
	_ =	swait.ge @!p0 [sflag:s8], $0x0  }
0x24: {  	s3 =	sadd.s32 $0x88, s3;
	s6 =	simm.s32 @!p1 $0x1082;
	[sflag:s4] =	ssyncset.s32 $0xFFFFF086  }
0x25: {  	[simem:s6], [sflag:s4] =	dma.local [hbm:s3], $0xF7A  }
0x26: {  	[smem:$0x3F99] =	sst s1;
	(tag) =	ssettag s2;
	_ =	strace s9  }
0x27: {  	s1 =	sld [smem:$0x3FA9]  }
0x28: {  	s2 =	sld [smem:$0x3FAA]  }
0x29: {  	s4 =	sld [smem:$0x3FAC]  }
0x2a: {  	p0 =	seq.s32 s5, $0x0;
	s5 =	sld [smem:$0x3FAD]  }
0x2b: {  	s6 =	sld [smem:$0x3FAE]  }
0x2c: {  	s7 =	sld [smem:$0x3FAF]  }
0x2d: {  	s3 =	simm.s32 $0x108;
	s8 =	sld [smem:$0x3FB0]  }
0x2e: {  	s3 =	simm.s32 @!p0 $0x1082;
	s9 =	sld [smem:$0x3FB1]  }
0x2f: {  	lr =	sadd.s32 s0, s3;
	s0 =	sld [smem:$0x3FA8]  }
0x30: {  	s3 =	sld [smem:$0x3FAB]  }
0x31: {  	[smem:$0x3FB4] =	sst s10  }
0x32: {  	s10 =	sld [smem:$0x3FB2];
	_ =	sdelay $0x3  }
0x33: {  	p0 =	seq.s32 s10, $0x1;
	s10 =	sld [smem:$0x3FB4];
	_ =	sdelay $0x3  }
0x34: {  	[smem:$0x3FB4] =	sst s10  }
0x35: {  	s10 =	sld [smem:$0x3FB3];
	_ =	sdelay $0x3  }
0x36: {  	p1 =	seq.s32 s10, $0x1;
	s10 =	sld [smem:$0x3FB4];
	_ =	sdelay $0x3  }
0x37: {  	[smem:$0x3FB4] =	sst s10  }
0x38: {  	s10 =	sld [smem:$0x3FB5]  }
0x39: {  	_ = 	snop;
	(pc) =	sbr.ind lr, $3  }
0x3a: {  	_ = 	snop  }
0x3b: {  	_ = 	snop  }
0x3c: {  	p2 =	seq.s32 s10, $0x1;
	s10 =	sld [smem:$0x3FB4]  }
0x3d: {  	_ =	shalt  }
0x3e: {  	_ =	shalt  }
0x3f: {  	_ =	shalt  }
0x40: {  	_ =	shalt  }
0x41: {  	_ =	shalt  }
0x42: {  	_ =	shalt  }
0x43: {  	_ =	shalt  }
0x44: {  	_ =	shalt  }
0x45: {  	_ =	shalt  }
0x46: {  	_ =	shalt  }
0x47: {  	_ =	shalt  }
0x48: {  	_ =	shalt  }
0x49: {  	_ =	shalt  }
0x4a: {  	_ =	shalt  }
0x4b: {  	_ =	shalt  }
0x4c: {  	_ =	shalt  }
0x4d: {  	_ =	shalt  }
0x4e: {  	_ =	shalt  }
0x4f: {  	_ =	shalt  }
0x50: {  	_ =	shalt  }
0x51: {  	_ =	shalt  }
0x52: {  	_ =	shalt  }
0x53: {  	_ =	shalt  }
0x54: {  	_ =	shalt  }
0x55: {  	_ =	shalt  }
0x56: {  	_ =	shalt  }
0x57: {  	_ =	shalt  }
0x58: {  	_ =	shalt  }
0x59: {  	_ =	shalt  }
0x5a: {  	_ =	shalt  }
0x5b: {  	_ =	shalt  }
0x5c: {  	_ =	shalt  }
0x5d: {  	_ =	shalt  }
0x5e: {  	_ =	shalt  }
0x5f: {  	_ =	shalt  }
0x60: {  	_ =	shalt  }
0x61: {  	_ =	shalt  }
0x62: {  	_ =	shalt  }
0x63: {  	_ =	shalt  }
0x64: {  	_ =	shalt  }
0x65: {  	_ =	shalt  }
0x66: {  	_ =	shalt  }
0x67: {  	_ =	shalt  }
0x68: {  	_ =	shalt  }
0x69: {  	_ =	shalt  }
0x6a: {  	_ =	shalt  }
0x6b: {  	_ =	shalt  }
0x6c: {  	_ =	shalt  }
0x6d: {  	_ =	shalt  }
0x6e: {  	_ =	shalt  }
0x6f: {  	_ =	shalt  }
0x70: {  	_ =	shalt  }
0x71: {  	_ =	shalt  }
0x72: {  	_ =	shalt  }
0x73: {  	_ =	shalt  }
0x74: {  	_ =	shalt  }
0x75: {  	_ =	shalt  }
0x76: {  	_ =	shalt  }
0x77: {  	_ =	shalt  }
0x78: {  	_ =	shalt  }
0x79: {  	_ =	shalt  }
0x7a: {  	_ =	shalt  }
0x7b: {  	_ =	shalt  }
0x7c: {  	_ =	shalt  }
0x7d: {  	_ =	shalt  }
0x7e: {  	_ =	shalt  }
0x7f: {  	_ =	shalt  }
0x80: {  	_ =	shalt  }
0x81: {  	_ =	shalt  }
0x82: {  	_ =	shalt  }
0x83: {  	_ =	shalt  }
0x84: {  	_ =	shalt  }
0x85: {  	_ =	shalt  }
0x86: {  	_ =	shalt  }
0x87: {  	_ =	shalt  }
.Lfunc_end0:
.L_simem_size_0:
called_computation.1_lowered:
.L_overlay_start_0:
0x88: {  	s2 =	sld [smem:$0x3FD9]  }
0x89: {  	s3 =	sld [smem:$0x3FFE];
	_ =	sdelay $0x1  }
0x8a: {  	s1 =	srdreg.scid  }
0x8b: {  	s0 =	sand.u32 $0x1, s1  }
0x8c: {  	s16 =	sshll.u32 s0, $0xA;
	s2 =	sadd.s32 s3, s2  }
0x8d: {  	s2 =	sadd.s32 s2, s16  }
0x8e: {  	[smem:$0x3FC0] =	sst s2  }
0x8f: {  	_ = 	snop  }
0x90: {  	(tm) =	ssettm $0x1  }
0x91: {  	s17 =	sld [smem:$0x3FFB];
	_ =	sdelay $0x3  }
0x92: {  	_ =	strace s17  }
0x93: {  	s2 =	sld [smem:$0x3FFC];
	_ =	sdelay $0x3  }
0x94: {  	_ =	strace s2  }
0x95: {  	s2 =	sld [smem:$0x3FFD];
	_ =	sdelay $0x3  }
0x96: {  	_ =	strace s2  }
0x97: {  	_ =	strace $0x8FFFFFFF  }
0x98: {  	s18 =	sld [smem:$0x3FDB];
	_ =	sdelay $0x1  }
0x99: {  	s19 =	simm.s32 $_scs_section_size  }
0x9a: {  	s4 =	simm.s32 $_size__tile_overlayer_lowered;
	s5 =	simm.s32 $_tile_overlayer_lowered  }
0x9b: {  	s22 =	simm.s32 $0x1BFF;
	s21 =	sshll.u32 s5, $0x1;
	s2 =	sadd.s32 s19, s18  }
0x9c: {  	s6 =	simm.s32 $0x0;
	s20 =	sshll.u32 s4, $0x1;
	s4 =	sadd.s32 s21, s2  }
0x9d: {  	[timem:s6], [sflag:s22] =	dma.local [hbm:s4], s20  }
0x9e: {  	_ =	swait.ge [sflag:s22], s20  }
0x9f: {  	s3 =	ssub.s32 $0x0, s20;
	[sflag:s22] =	ssyncset.done $0x0  }
0xa0: {  	[sflag:s22] =	ssyncadd.s32 s3;
	_ =	sdelay $0x1  }
0xa1: {  	s23 =	simm.s32 $0x1B8B  }
0xa2: {  	_ =	swait.ge [sflag:s23], $0x1  }
0xa3: {  	[sflag:s23] =	ssyncset.done $0x0  }
0xa4: {  	s25 =	simm.s32 $0x1B8E;
	s24 =	sld [smem:$0x3FFE];
	[sflag:s23] =	ssyncadd.s32 $0xFFFFFFFF  }
0xa5: {  	s26 =	simm.s32 $execute0_lowered;
	[smem:$0x3FD2] =	sst s25  }
0xa6: {  	s4 =	sshll.u32 s26, $0x1;
	_ =	strace $0x80000049;
	[dreg:$0x1] =	wrdreg $0xFFFFFFFF  }
0xa7: {  	s28 =	simm.s32 $_size_execute0_lowered;
	s2 =	sadd.s32 s2, s4;
	[dreg:$0x0] =	wrdreg $0x0  }
0xa8: {  	s4 =	sshll.u32 s28, $0x1;
	[dreg:$0x2] =	wrdreg s2  }
0xa9: {  	[dreg:$0x3] =	wrdreg s4  }
0xaa: {  	[dreg:$0x4] =	wrdreg $0xC0  }
0xab: {  	_ =	task [dreg:s6], $0x5FFFF  }
0xac: {  	[dreg:$0x1] =	wrdreg $0xFFFFFFFF  }
0xad: {  	[dreg:$0x0] =	wrdreg $0x60  }
0xae: {  	[dreg:$0x2] =	wrdreg s24  }
0xaf: {  	[dreg:$0x3] =	wrdreg $0x41000  }
0xb0: {  	[dreg:$0x4] =	wrdreg $0x9  }
0xb1: {  	_ =	task.clear_ibuf [dreg:s6], $0x5FFFF;
	_ =	strace $0x90000049  }
0xb2: {  	s29 =	simm.s32 $0x9;
	_ =	strace $0x8000004B  }
0xb3: {  	_ =	swait.ge [sflag:s29], $0x1  }
0xb4: {  	[sflag:s29] =	ssyncadd.s32 $0xFFFFFFFF  }
0xb5: {  	_ =	strace $0x9000004B  }
0xb6: {  	_ =	sfence  }
0xb7: {  	s30 =	sld [smem:$0x0];
	_ =	sdelay $0x2  }
0xb8: {  	s31 =	sshll.u32 s1, $0xD;
	s1 =	sshrl.u32 s1, $0x2  }
0xb9: {  	s3 =	sand.u32 $0x4000, s31;
	s1 =	sadd.s32 s1, s30  }
0xba: {  	s0 =	sor.u32 s3, s0;
	s1 =	sshll.u32 s1, $0x11  }
0xbb: {  	s0 =	sor.u32 s1, s0  }
0xbc: {  	s0 =	sadd.s32 $0x8F2B, s0  }
0xbd: {  	[sflag:s0] =	ssyncadd.remote.s32 $0x1  }
0xbe: {  	_ =	sfence.sel $0xFFFF  }
0xbf: {  	[dreg:$0x0] =	wrdreg $0xFFFFFFFF;
	(pc) =	sbr.abs _section_cstart, $3  }
0xc0: {  	[dreg:$0x1] =	wrdreg $0xFFFFFFFF  }
0xc1: {  	_ =	task.clear_ibuf [dreg:s6], $0x2FFFF;
	_ =	strace $0x9FFFFFFF  }
0xc2: {  	(tm) =	ssettm $0x7FFFFFFF  }
0xc3: {  	_ =	shalt  }
tec
execute0_lowered:
.L_overlay_start_1:
0x0: {  	(tag) =	ssettag $0x1  }
0x1: {  	s7 =	rddreg [dreg:$0x0]  }
0x2: {  	s1 =	rddreg [dreg:$0x1]  }
0x3: {  	s2 =	srdreg.scid;
	s0 =	rddreg [dreg:$0x2];
	s3 =	simm.s32 $0x0  }
0x4: {  	s15 =	simm.s32 $0x2;
	s16 =	simm.s32 $0x4000;
	s17 =	simm.s32 $0x4080  }
0x5: {  	s18 =	simm.s32 $0x80;
	s19 =	simm.s32 $0x1;
	s8 =	sand.u32 $0x1, s2  }
0x6: {  	s22 =	simm.s32 $0x0;
	s2 =	stileid.u32;
	s5 =	smul.u32 $0x140000, s8  }
0x7: {  	[smem:$0x7FF] =	sst s3;
	s4 =	sadd.s32 $0x66400, s7;
	s6 =	smul.u32 $0x14000, s2  }
0x8: {  	_ =	strace $0x8000004A;
	s10 =	smul.u32 $0x50000, s2;
	s29 =	ssub.s32 $0x2, s8  }
0x9: {  	s11 =	sshll.u32 s2, $0x1;
	s20 =	sshll.u32 s2, $0x6;
	s31 =	sshrl.u32 s29, $0x1  }
0xa: {  	s12 =	sor.u32 s8, s11;
	s20 =	sor.u32 $0x1C02, s20;
	s9 =	sadd.s32 s6, s5  }
0xb: {  	s5 =	sadd.s32 $0x5C400, s7;
	s6 =	sadd.s32 $0x2400, s7;
	s30 =	sshrl.u32 s10, $0x2  }
0xc: {  	s14 =	ssub.s32 s29, s31;
	s12 =	smul.u32 $0x2800, s12;
	s9 =	sshrl.u32 s9, $0x3  }
0xd: {  	s14 =	smax.u32 s14, $0x1;
	s13 =	sadd.s32 s9, s7;
	s7 =	sadd.s32 s30, s1  }
0xe: {  	s8 =	sadd.s32 $0x4000, s7;
	s9 =	sadd.s32 $0x8000, s7;
	s10 =	sadd.s32 $0xC000, s7  }
0xf: {  	v0 =	vimm.f32 $0.0e+00;
	s11 =	sadd.s32 $0x10000, s7;
	s13 =	sadd.s32 $0x8D600, s13;
	s21 =	sshrl.u32 s7, $0x3  }
.LBB2_1:
0x10: {  	s23 =	simm.s32 $0x0;
	s24 =	simm.s32 $0x200  }
.LBB2_2:
0x11: {  	p0 =	sne.s32 s24, $0xFE00;
	[tilespmem:s23+$0x70] =	vst v0  }
0x12: {  	[tilespmem:s23+$0x0] =	vst v0  }
0x13: {  	[tilespmem:s23+$0x10] =	vst v0  }
.Ltmp0:
0x14: {  	[tilespmem:s23+$0x20] =	vst v0;
	(pc) =	sbr.rel @p0 .LBB2_2-.Ltmp0, $4  }
0x15: {  	[tilespmem:s23+$0x30] =	vst v0  }
0x16: {  	[tilespmem:s23+$0x40] =	vst v0  }
0x17: {  	[tilespmem:s23+$0x50] =	vst v0  }
0x18: {  	[tilespmem:s23+$0x60] =	vst v0;
	s23 =	sshra.s32 s24, $0x2;
	s24 =	sadd.s32 $0x200, s24  }
0x19: {  	[tilespmem:s23+$0x70] =	vst v0  }
0x1a: {  	[tilespmem:s23+$0x0] =	vst v0  }
0x1b: {  	[tilespmem:s23+$0x10] =	vst v0  }
0x1c: {  	[tilespmem:s23+$0x20] =	vst v0  }
0x1d: {  	[tilespmem:s23+$0x30] =	vst v0  }
0x1e: {  	[tilespmem:s23+$0x40] =	vst v0  }
0x1f: {  	[tilespmem:s23+$0x50] =	vst v0  }
0x20: {  	[tilespmem:s23+$0x60] =	vst v0;
	s28 =	simm.s32 $0x0  }
0x21: {  	[spmem:s7] =	stream.linear.scatter [tilespmem:s28], [sflag:$0x2], $0x4000, $0x38;
	[tilespmem:$0x18100] =	vst v63  }
0x22: {  	_ =	swait.ge [sflag:s15], $0x4000  }
0x23: {  	[sflag:s15] =	ssyncset.done $0x0  }
0x24: {  	[sflag:s15] =	ssyncadd.s32 $0xFFFFC000  }
0x25: {  	[spmem:s8] =	stream.linear.scatter [tilespmem:s28], [sflag:$0x2], $0x4000, $0x38;
	[tilespmem:$0x18100] =	vst v63  }
0x26: {  	_ =	swait.ge [sflag:s15], $0x4000  }
0x27: {  	[sflag:s15] =	ssyncset.done $0x0  }
0x28: {  	[sflag:s15] =	ssyncadd.s32 $0xFFFFC000  }
0x29: {  	[spmem:s9] =	stream.linear.scatter [tilespmem:s28], [sflag:$0x2], $0x4000, $0x38;
	[tilespmem:$0x18100] =	vst v63  }
0x2a: {  	_ =	swait.ge [sflag:s15], $0x4000  }
0x2b: {  	[sflag:s15] =	ssyncset.done $0x0  }
0x2c: {  	[sflag:s15] =	ssyncadd.s32 $0xFFFFC000  }
0x2d: {  	[spmem:s10] =	stream.linear.scatter [tilespmem:s28], [sflag:$0x2], $0x4000, $0x38;
	[tilespmem:$0x18100] =	vst v63  }
0x2e: {  	_ =	swait.ge [sflag:s15], $0x4000  }
0x2f: {  	[sflag:s15] =	ssyncset.done $0x0  }
0x30: {  	s24 =	sand.u32 $0x3C00, s28;
	[sflag:s15] =	ssyncadd.s32 $0xFFFFC000  }
0x31: {  	[spmem:s11] =	stream.linear.scatter [tilespmem:s28], [sflag:$0x2], $0x4000, $0x38;
	[tilespmem:$0x18100] =	vst v63  }
0x32: {  	s23 =	sand.u32 $0x380, s28;
	s24 =	sadd.s32 s12, s24;
	_ =	swait.ge [sflag:s15], $0x4000  }
0x33: {  	s23 =	sor.u32 s23, s24;
	[sflag:s15] =	ssyncset.done $0x0  }
0x34: {  	s23 =	sshrl.u32 s23, $0x3;
	[sflag:s15] =	ssyncadd.s32 $0xFFFFC000  }
0x35: {  	s29 =	sadd.s32 s5, s23;
	[bflag:$0x0] =	sbarrier.arrive $0xFFFF  }
0x36: {  	[tilespmem:s16], [sflag:$0x2] =	stream.linear.gather [hbm4b:s29+s3], $0x80, $0x38;
	[tilespmem:$0x18100] =	vst v63  }
0x37: {  	_ =	swait.ge [sflag:s15], $0x80  }
0x38: {  	[sflag:s15] =	ssyncset.done $0x0  }
0x39: {  	s23 =	sadd.s32 s6, s23;
	[sflag:s15] =	ssyncadd.s32 $0xFFFFFF80  }
0x3a: {  	[tilespmem:s17], [sflag:$0x2] =	stream.linear.gather [hbm4b:s23+s3], $0x80, $0x38;
	[tilespmem:$0x18100] =	vst v63  }
0x3b: {  	_ =	swait.ge [sflag:s15], $0x80  }
0x3c: {  	[sflag:s15] =	ssyncset.done $0x0  }
0x3d: {  	[sflag:s15] =	ssyncadd.s32 $0xFFFFFF80  }
0x3e: {  	[tilespmem:s3], [sflag:$0x1] =	stream.indirect.gather [hbm4b:s4+s18], $0x80, s16, s18, $0xb8;
	[tilespmem:$0x18100] =	vst v63  }
0x3f: {  	_ =	swait.ge [sflag:s19], $0x4000  }
0x40: {  	s30 =	simm.s32 $0x80;
	[sflag:s19] =	ssyncset.done $0x0  }
0x41: {  	s31 =	sand.u32 $0x3C00, s30;
	[sflag:s19] =	ssyncadd.s32 $0xFFFFC000  }
0x42: {  	[spmem:s1] =	stream.indirect.scatter.add.f32 [tilespmem:s3], [sflag:$0x2], $0x80, s17, s18, $0xb8;
	[tilespmem:$0x18100] =	vst v63  }
0x43: {  	s25 =	sand.u32 $0x380, s30;
	s24 =	sadd.s32 s12, s31;
	_ =	swait.ge [sflag:s15], $0x4000  }
0x44: {  	s24 =	sor.u32 s25, s24;
	s23 =	simm.s32 $0x100;
	[sflag:s15] =	ssyncset.done $0x0  }
.LBB2_4:
0x45: {  	s24 =	sshrl.u32 s24, $0x3  }
0x46: {  	[sflag:s15] =	ssyncadd.s32 $0xFFFFC000;
	s25 =	smov.u32 s23;
	s26 =	sadd.s32 $0x80, s23  }
0x47: {  	p0 =	sne.s32 s23, $0x2700;
	s23 =	sadd.s32 s5, s24  }
0x48: {  	[tilespmem:s16], [sflag:$0x2] =	stream.linear.gather [hbm4b:s23+s3], $0x80, $0x38;
	[tilespmem:$0x18100] =	vst v63  }
0x49: {  	_ =	swait.ge [sflag:s15], $0x80  }
0x4a: {  	[sflag:s15] =	ssyncset.done $0x0  }
0x4b: {  	s23 =	sadd.s32 s6, s24;
	[sflag:s15] =	ssyncadd.s32 $0xFFFFFF80  }
0x4c: {  	[tilespmem:s17], [sflag:$0x2] =	stream.linear.gather [hbm4b:s23+s3], $0x80, $0x38;
	[tilespmem:$0x18100] =	vst v63  }
0x4d: {  	_ =	swait.ge [sflag:s15], $0x80  }
0x4e: {  	[sflag:s15] =	ssyncset.done $0x0  }
0x4f: {  	[sflag:s15] =	ssyncadd.s32 $0xFFFFFF80  }
0x50: {  	[tilespmem:s3], [sflag:$0x1] =	stream.indirect.gather [hbm4b:s4+s18], $0x80, s16, s18, $0xb8;
	[tilespmem:$0x18100] =	vst v63  }
0x51: {  	_ =	swait.ge [sflag:s19], $0x4000  }
.Ltmp1:
0x52: {  	[sflag:s19] =	ssyncset.done $0x0;
	(pc) =	sbr.rel @p0 .LBB2_4-.Ltmp1, $4  }
0x53: {  	s23 =	sand.u32 $0x3C00, s25;
	[sflag:s19] =	ssyncadd.s32 $0xFFFFC000  }
0x54: {  	[spmem:s1] =	stream.indirect.scatter.add.f32 [tilespmem:s3], [sflag:$0x2], $0x80, s17, s18, $0xb8;
	[tilespmem:$0x18100] =	vst v63  }
0x55: {  	s24 =	sand.u32 $0x380, s25;
	s23 =	sadd.s32 s12, s23;
	_ =	swait.ge [sflag:s15], $0x4000  }
0x56: {  	s24 =	sor.u32 s24, s23;
	s23 =	smov.u32 s26;
	[sflag:s15] =	ssyncset.done $0x0  }
0x57: {  	s23 =	sshrl.u32 s24, $0x3  }
0x58: {  	[sflag:s15] =	ssyncadd.s32 $0xFFFFC000;
	s24 =	sadd.s32 s5, s23  }
0x59: {  	[tilespmem:s16], [sflag:$0x2] =	stream.linear.gather [hbm4b:s24+s3], $0x80, $0x38;
	[tilespmem:$0x18100] =	vst v63  }
0x5a: {  	_ =	swait.ge [sflag:s15], $0x80  }
0x5b: {  	[sflag:s15] =	ssyncset.done $0x0  }
0x5c: {  	s23 =	sadd.s32 s6, s23;
	[sflag:s15] =	ssyncadd.s32 $0xFFFFFF80  }
0x5d: {  	[tilespmem:s17], [sflag:$0x2] =	stream.linear.gather [hbm4b:s23+s3], $0x80, $0x38;
	[tilespmem:$0x18100] =	vst v63  }
0x5e: {  	_ =	swait.ge [sflag:s15], $0x80  }
0x5f: {  	[sflag:s15] =	ssyncset.done $0x0  }
0x60: {  	[sflag:s15] =	ssyncadd.s32 $0xFFFFFF80  }
0x61: {  	[tilespmem:s3], [sflag:$0x1] =	stream.indirect.gather [hbm4b:s4+s18], $0x80, s16, s18, $0xb8;
	[tilespmem:$0x18100] =	vst v63  }
0x62: {  	_ =	swait.ge [sflag:s19], $0x4000  }
0x63: {  	[sflag:s19] =	ssyncset.done $0x0  }
0x64: {  	[sflag:s19] =	ssyncadd.s32 $0xFFFFC000  }
0x65: {  	[spmem:s1] =	stream.indirect.scatter.add.f32 [tilespmem:s3], [sflag:$0x2], $0x80, s17, s18, $0xb8;
	[tilespmem:$0x18100] =	vst v63  }
0x66: {  	_ =	swait.ge [sflag:s15], $0x4000  }
0x67: {  	s22 =	sadd.s32 $0x1, s22;
	[sflag:s15] =	ssyncset.done $0x0  }
0x68: {  	p0 =	sne.s32 s22, s14;
	[sflag:s15] =	ssyncadd.s32 $0xFFFFC000  }
.Ltmp2:
0x69: {  	[bflag:$0x0] =	sbarrier.arrive $0xFFFF;
	(pc) =	sbr.rel @p0 .LBB2_1-.Ltmp2, $4  }
0x6a: {  	[hbm:s13], [sflag:s20] =	dma.local [spmem:s21], $0x2800  }
0x6b: {  	_ =	swait.ge [sflag:s15], $0x2800  }
0x6c: {  	[sflag:s15] =	ssyncset.done $0x0  }
0x6d: {  	[sflag:s15] =	ssyncadd.s32 $0xFFFFD800  }
0x6e: {  	_ =	sfence.sel $0x180000  }
0x6f: {  	[bflag:$0x0] =	sbarrier.arrive $0xFFFF  }
0x70: {  	p0 =	sne.s32 s2, $0x0;
	_ =	strace $0x9000004A  }
0x71: {  	s0 =	sadd.s32 @!p0 $0x100000, s0;
	[bflag:$0x2] =	sbarrier.arrive $0xFFFF  }
0x72: {  	[sflag:s0] =	ssyncadd.tile.s32 @!p0 $0x1;
	_ =	shalt  }
.Lfunc_end2:
_tile_overlayer_lowered:
.L_overlay_start_2:
0x73: {  	(tag) =	ssettag $0x2  }
0x74: {  	s0 =	rddreg [dreg:$0x0];
	s2 =	stileid.u32  }
0x75: {  	s1 =	rddreg [dreg:$0x1];
	p0 =	sne.s32 s2, $0x0  }
0x76: {  	s3 =	rddreg [dreg:$0x2];
	[bflag:$0x3] =	sbarrier.arrive $0xFFFF;
	s2 =	simm.s32 @!p0 $0x1C02  }
0x77: {  	[timem:s3], [sflag:s2] =	dma.local @!p0 [hbm:s0], s1  }
0x78: {  	s0 =	simm.s32 @!p0 $0x2  }
0x79: {  	_ =	swait.ge @!p0 [sflag:s0], s1  }
0x7a: {  	s1 =	ssub.s32 @!p0 $0x0, s1;
	[sflag:s0] =	ssyncset.done @!p0 $0x0  }
0x7b: {  	[sflag:s0] =	ssyncadd.s32 @!p0 s1  }
0x7c: {  	[bflag:$0x3] =	sbarrier.arrive $0xFFFF  }
0x7d: {  	_ =	shalt  }

// kernel: kernel.14.cloned.1.call-start
scs
__scs_entry_jumppad:
0x0: {  	(pc) =	sbr.rel $0x88, $3  }
0x1: {  	(tag) =	ssettag $0x0;
	lr =	simm.s32 $0x1  }
0x2: {  	[smem:$0x3F99] =	sst lr;
	_ =	strace $0xD0000000  }
0x3: {  	_ = 	snop  }
0x4: {  	_ = 	snop  }
0x5: {  	_ = 	snop  }
0x6: {  	_ = 	snop  }
0x7: {  	_ = 	snop  }
__scs_overlays_trampoline_lowered:
0x8: {  	[smem:$0x3FA8] =	sst s0  }
0x9: {  	[smem:$0x3FA9] =	sst s1  }
0xa: {  	[smem:$0x3FAA] =	sst s2  }
0xb: {  	[smem:$0x3FAB] =	sst s3  }
0xc: {  	[smem:$0x3FAC] =	sst s4  }
0xd: {  	[smem:$0x3FAD] =	sst s5  }
0xe: {  	[smem:$0x3FAE] =	sst s6  }
0xf: {  	[smem:$0x3FAF] =	sst s7  }
0x10: {  	[smem:$0x3FB0] =	sst s8  }
0x11: {  	[smem:$0x3FB1] =	sst s9;
	s0 =	simm.s32 @!p0 $0x0  }
0x12: {  	s1 =	sld [smem:$0x3F97];
	s0 =	simm.s32 @p0 $0x1  }
0x13: {  	[smem:$0x3FB2] =	sst s0;
	s0 =	simm.s32 @!p1 $0x0  }
0x14: {  	s2 =	sld [smem:$0x3F96];
	s0 =	simm.s32 @p1 $0x1  }
0x15: {  	[smem:$0x3FB3] =	sst s0;
	s0 =	simm.s32 @!p2 $0x0  }
0x16: {  	s3 =	sld [smem:$0x3FDB];
	s0 =	simm.s32 @p2 $0x1  }
0x17: {  	s4 =	simm.s32 $0x1BF5;
	[smem:$0x3FB5] =	sst s0  }
0x18: {  	s0 =	sld [smem:$0x3F98];
	_ =	swait.ge [sflag:s4], $0x0  }
0x19: {  	s7 =	sld [smem:$0x3F99]  }
0x1a: {  	s8 =	sadd.s32 $0xFFFFE003, lr  }
0x1b: {  	s9 =	sadd.s32 $0xFFFFFEF7, lr;
	s5 =	simm.s32 $0xFFFFFFFF;
	p2 =	slt.u32 s8, $0xFFFFF086  }
0x1c: {  	p1 =	slt.u32 s9, $0xF7A;
	s5 =	simm.s32 @!p2 $0x0  }
0x1d: {  	s5 =	simm.s32 @p1 $0x1;
	p0 =	seq.s32 s7, s2  }
0x1e: {  	s7 =	smul.u32 @!p0 $0xF7A, s2;
	p2 =	seq.s32 @!p0 s5, $0x0  }
0x1f: {  	s9 =	smul.u32 $0xF7A, s1;
	s8 =	simm.s32 @!p0 $0x1BF5;
	p2 =	por !p2, p0  }
0x20: {  	[sflag:s8] =	ssyncset.s32 @!p0 $0xFFFFF086;
	s6 =	sadd.s32 @!p0 s3, s7;
	s7 =	simm.s32 @!p0 $0x108  }
0x21: {  	s3 =	sadd.s32 s3, s9;
	s6 =	sadd.s32 @!p0 $0x88, s6;
	s7 =	simm.s32 @p2 $0x1082  }
0x22: {  	[simem:s7], [sflag:s8] =	dma.local @!p0 [hbm:s6], $0xF7A  }
0x23: {  	s9 =	sor.u32 $0xD0000000, s2;
	s6 =	simm.s32 $0x108;
	_ =	swait.ge @!p0 [sflag:s8], $0x0  }
0x24: {  	s3 =	sadd.s32 $0x88, s3;
	s6 =	simm.s32 @!p1 $0x1082;
	[sflag:s4] =	ssyncset.s32 $0xFFFFF086  }
0x25: {  	[simem:s6], [sflag:s4] =	dma.local [hbm:s3], $0xF7A  }
0x26: {  	[smem:$0x3F99] =	sst s1;
	(tag) =	ssettag s2;
	_ =	strace s9  }
0x27: {  	s1 =	sld [smem:$0x3FA9]  }
0x28: {  	s2 =	sld [smem:$0x3FAA]  }
0x29: {  	s4 =	sld [smem:$0x3FAC]  }
0x2a: {  	p0 =	seq.s32 s5, $0x0;
	s5 =	sld [smem:$0x3FAD]  }
0x2b: {  	s6 =	sld [smem:$0x3FAE]  }
0x2c: {  	s7 =	sld [smem:$0x3FAF]  }
0x2d: {  	s3 =	simm.s32 $0x108;
	s8 =	sld [smem:$0x3FB0]  }
0x2e: {  	s3 =	simm.s32 @!p0 $0x1082;
	s9 =	sld [smem:$0x3FB1]  }
0x2f: {  	lr =	sadd.s32 s0, s3;
	s0 =	sld [smem:$0x3FA8]  }
0x30: {  	s3 =	sld [smem:$0x3FAB]  }
0x31: {  	[smem:$0x3FB4] =	sst s10  }
0x32: {  	s10 =	sld [smem:$0x3FB2];
	_ =	sdelay $0x3  }
0x33: {  	p0 =	seq.s32 s10, $0x1;
	s10 =	sld [smem:$0x3FB4];
	_ =	sdelay $0x3  }
0x34: {  	[smem:$0x3FB4] =	sst s10  }
0x35: {  	s10 =	sld [smem:$0x3FB3];
	_ =	sdelay $0x3  }
0x36: {  	p1 =	seq.s32 s10, $0x1;
	s10 =	sld [smem:$0x3FB4];
	_ =	sdelay $0x3  }
0x37: {  	[smem:$0x3FB4] =	sst s10  }
0x38: {  	s10 =	sld [smem:$0x3FB5]  }
0x39: {  	_ = 	snop;
	(pc) =	sbr.ind lr, $3  }
0x3a: {  	_ = 	snop  }
0x3b: {  	_ = 	snop  }
0x3c: {  	p2 =	seq.s32 s10, $0x1;
	s10 =	sld [smem:$0x3FB4]  }
0x3d: {  	_ =	shalt  }
0x3e: {  	_ =	shalt  }
0x3f: {  	_ =	shalt  }
0x40: {  	_ =	shalt  }
0x41: {  	_ =	shalt  }
0x42: {  	_ =	shalt  }
0x43: {  	_ =	shalt  }
0x44: {  	_ =	shalt  }
0x45: {  	_ =	shalt  }
0x46: {  	_ =	shalt  }
0x47: {  	_ =	shalt  }
0x48: {  	_ =	shalt  }
0x49: {  	_ =	shalt  }
0x4a: {  	_ =	shalt  }
0x4b: {  	_ =	shalt  }
0x4c: {  	_ =	shalt  }
0x4d: {  	_ =	shalt  }
0x4e: {  	_ =	shalt  }
0x4f: {  	_ =	shalt  }
0x50: {  	_ =	shalt  }
0x51: {  	_ =	shalt  }
0x52: {  	_ =	shalt  }
0x53: {  	_ =	shalt  }
0x54: {  	_ =	shalt  }
0x55: {  	_ =	shalt  }
0x56: {  	_ =	shalt  }
0x57: {  	_ =	shalt  }
0x58: {  	_ =	shalt  }
0x59: {  	_ =	shalt  }
0x5a: {  	_ =	shalt  }
0x5b: {  	_ =	shalt  }
0x5c: {  	_ =	shalt  }
0x5d: {  	_ =	shalt  }
0x5e: {  	_ =	shalt  }
0x5f: {  	_ =	shalt  }
0x60: {  	_ =	shalt  }
0x61: {  	_ =	shalt  }
0x62: {  	_ =	shalt  }
0x63: {  	_ =	shalt  }
0x64: {  	_ =	shalt  }
0x65: {  	_ =	shalt  }
0x66: {  	_ =	shalt  }
0x67: {  	_ =	shalt  }
0x68: {  	_ =	shalt  }
0x69: {  	_ =	shalt  }
0x6a: {  	_ =	shalt  }
0x6b: {  	_ =	shalt  }
0x6c: {  	_ =	shalt  }
0x6d: {  	_ =	shalt  }
0x6e: {  	_ =	shalt  }
0x6f: {  	_ =	shalt  }
0x70: {  	_ =	shalt  }
0x71: {  	_ =	shalt  }
0x72: {  	_ =	shalt  }
0x73: {  	_ =	shalt  }
0x74: {  	_ =	shalt  }
0x75: {  	_ =	shalt  }
0x76: {  	_ =	shalt  }
0x77: {  	_ =	shalt  }
0x78: {  	_ =	shalt  }
0x79: {  	_ =	shalt  }
0x7a: {  	_ =	shalt  }
0x7b: {  	_ =	shalt  }
0x7c: {  	_ =	shalt  }
0x7d: {  	_ =	shalt  }
0x7e: {  	_ =	shalt  }
0x7f: {  	_ =	shalt  }
0x80: {  	_ =	shalt  }
0x81: {  	_ =	shalt  }
0x82: {  	_ =	shalt  }
0x83: {  	_ =	shalt  }
0x84: {  	_ =	shalt  }
0x85: {  	_ =	shalt  }
0x86: {  	_ =	shalt  }
0x87: {  	_ =	shalt  }
.Lfunc_end0:
.L_simem_size_0:
called_computation.2_lowered:
.L_overlay_start_0:
0x88: {  	s2 =	sld [smem:$0x3FD9]  }
0x89: {  	s3 =	sld [smem:$0x3FFE];
	_ =	sdelay $0x1  }
0x8a: {  	s1 =	srdreg.scid  }
0x8b: {  	s0 =	sand.u32 $0x1, s1  }
0x8c: {  	s16 =	sshll.u32 s0, $0xA;
	s2 =	sadd.s32 s3, s2  }
0x8d: {  	s2 =	sadd.s32 s2, s16  }
0x8e: {  	[smem:$0x3FC0] =	sst s2  }
0x8f: {  	_ = 	snop  }
0x90: {  	(tm) =	ssettm $0x1  }
0x91: {  	s17 =	sld [smem:$0x3FFB];
	_ =	sdelay $0x3  }
0x92: {  	_ =	strace s17  }
0x93: {  	s2 =	sld [smem:$0x3FFC];
	_ =	sdelay $0x3  }
0x94: {  	_ =	strace s2  }
0x95: {  	s2 =	sld [smem:$0x3FFD];
	_ =	sdelay $0x3  }
0x96: {  	_ =	strace s2  }
0x97: {  	_ =	strace $0x8FFFFFFF  }
0x98: {  	s18 =	sld [smem:$0x3FDB];
	_ =	sdelay $0x1  }
0x99: {  	s19 =	simm.s32 $_scs_section_size  }
0x9a: {  	s4 =	simm.s32 $_size__tile_overlayer_lowered;
	s5 =	simm.s32 $_tile_overlayer_lowered  }
0x9b: {  	s22 =	simm.s32 $0x1BFF;
	s21 =	sshll.u32 s5, $0x1;
	s2 =	sadd.s32 s19, s18  }
0x9c: {  	s6 =	simm.s32 $0x0;
	s20 =	sshll.u32 s4, $0x1;
	s4 =	sadd.s32 s21, s2  }
0x9d: {  	[timem:s6], [sflag:s22] =	dma.local [hbm:s4], s20  }
0x9e: {  	_ =	swait.ge [sflag:s22], s20  }
0x9f: {  	s3 =	ssub.s32 $0x0, s20;
	[sflag:s22] =	ssyncset.done $0x0  }
0xa0: {  	[sflag:s22] =	ssyncadd.s32 s3;
	_ =	sdelay $0x1  }
0xa1: {  	s23 =	simm.s32 $0x1B8B  }
0xa2: {  	_ =	swait.ge [sflag:s23], $0x1  }
0xa3: {  	[sflag:s23] =	ssyncset.done $0x0  }
0xa4: {  	s25 =	simm.s32 $0x1B8E;
	s24 =	sld [smem:$0x3FFE];
	[sflag:s23] =	ssyncadd.s32 $0xFFFFFFFF  }
0xa5: {  	s26 =	simm.s32 $execute0_lowered;
	[smem:$0x3FD2] =	sst s25  }
0xa6: {  	s4 =	sshll.u32 s26, $0x1;
	_ =	strace $0x8000004C;
	[dreg:$0x1] =	wrdreg $0xFFFFFFFF  }
0xa7: {  	s28 =	simm.s32 $_size_execute0_lowered;
	s2 =	sadd.s32 s2, s4;
	[dreg:$0x0] =	wrdreg $0x0  }
0xa8: {  	s4 =	sshll.u32 s28, $0x1;
	[dreg:$0x2] =	wrdreg s2  }
0xa9: {  	[dreg:$0x3] =	wrdreg s4  }
0xaa: {  	[dreg:$0x4] =	wrdreg $0xC0  }
0xab: {  	_ =	task [dreg:s6], $0x5FFFF  }
0xac: {  	[dreg:$0x1] =	wrdreg $0xFFFFFFFF  }
0xad: {  	[dreg:$0x0] =	wrdreg $0x60  }
0xae: {  	[dreg:$0x2] =	wrdreg s24  }
0xaf: {  	[dreg:$0x3] =	wrdreg $0x41000  }
0xb0: {  	[dreg:$0x4] =	wrdreg $0x9  }
0xb1: {  	_ =	task.clear_ibuf [dreg:s6], $0x5FFFF;
	_ =	strace $0x9000004C  }
0xb2: {  	s29 =	simm.s32 $0x9;
	_ =	strace $0x8000004E  }
0xb3: {  	_ =	swait.ge [sflag:s29], $0x1  }
0xb4: {  	[sflag:s29] =	ssyncadd.s32 $0xFFFFFFFF  }
0xb5: {  	_ =	strace $0x9000004E  }
0xb6: {  	_ =	sfence  }
0xb7: {  	s30 =	sld [smem:$0x0];
	_ =	sdelay $0x2  }
0xb8: {  	s31 =	sshll.u32 s1, $0xD;
	s1 =	sshrl.u32 s1, $0x2  }
0xb9: {  	s3 =	sand.u32 $0x4000, s31;
	s1 =	sadd.s32 s1, s30  }
0xba: {  	s0 =	sor.u32 s3, s0;
	s1 =	sshll.u32 s1, $0x11  }
0xbb: {  	s0 =	sor.u32 s1, s0  }
0xbc: {  	s0 =	sadd.s32 $0x8F2B, s0  }
0xbd: {  	[sflag:s0] =	ssyncadd.remote.s32 $0x1  }
0xbe: {  	_ =	sfence.sel $0xFFFF  }
0xbf: {  	[dreg:$0x0] =	wrdreg $0xFFFFFFFF;
	(pc) =	sbr.abs _section_cstart, $3  }
0xc0: {  	[dreg:$0x1] =	wrdreg $0xFFFFFFFF  }
0xc1: {  	_ =	task.clear_ibuf [dreg:s6], $0x2FFFF;
	_ =	strace $0x9FFFFFFF  }
0xc2: {  	(tm) =	ssettm $0x7FFFFFFF  }
0xc3: {  	_ =	shalt  }
tec
execute0_lowered:
.L_overlay_start_1:
0x0: {  	(tag) =	ssettag $0x1  }
0x1: {  	s7 =	rddreg [dreg:$0x0]  }
0x2: {  	s1 =	rddreg [dreg:$0x1]  }
0x3: {  	s2 =	srdreg.scid;
	s0 =	rddreg [dreg:$0x2];
	s3 =	simm.s32 $0x0  }
0x4: {  	s15 =	simm.s32 $0x2;
	s16 =	simm.s32 $0x4000;
	s17 =	simm.s32 $0x4080  }
0x5: {  	s18 =	simm.s32 $0x80;
	s19 =	simm.s32 $0x1;
	s8 =	sand.u32 $0x1, s2  }
0x6: {  	s22 =	simm.s32 $0x0;
	s2 =	stileid.u32;
	s5 =	smul.u32 $0x140000, s8  }
0x7: {  	[smem:$0x7FF] =	sst s3;
	s4 =	sadd.s32 $0x66400, s7;
	s6 =	smul.u32 $0x14000, s2  }
0x8: {  	_ =	strace $0x8000004D;
	s10 =	smul.u32 $0x50000, s2;
	s29 =	ssub.s32 $0x2, s8  }
0x9: {  	s11 =	sshll.u32 s2, $0x1;
	s20 =	sshll.u32 s2, $0x6;
	s31 =	sshrl.u32 s29, $0x1  }
0xa: {  	s12 =	sor.u32 s8, s11;
	s20 =	sor.u32 $0x1C02, s20;
	s9 =	sadd.s32 s6, s5  }
0xb: {  	s5 =	sadd.s32 $0x5C400, s7;
	s6 =	sadd.s32 $0x2400, s7;
	s30 =	sshrl.u32 s10, $0x2  }
0xc: {  	s14 =	ssub.s32 s29, s31;
	s12 =	smul.u32 $0x2800, s12;
	s9 =	sshrl.u32 s9, $0x3  }
0xd: {  	s14 =	smax.u32 s14, $0x1;
	s13 =	sadd.s32 s9, s7;
	s7 =	sadd.s32 s30, s1  }
0xe: {  	s8 =	sadd.s32 $0x4000, s7;
	s9 =	sadd.s32 $0x8000, s7;
	s10 =	sadd.s32 $0xC000, s7  }
0xf: {  	v0 =	vimm.f32 $0.0e+00;
	s11 =	sadd.s32 $0x10000, s7;
	s13 =	sadd.s32 $0x8D600, s13;
	s21 =	sshrl.u32 s7, $0x3  }
.LBB2_1:
0x10: {  	s23 =	simm.s32 $0x0;
	s24 =	simm.s32 $0x200  }
.LBB2_2:
0x11: {  	p0 =	sne.s32 s24, $0xFE00;
	[tilespmem:s23+$0x70] =	vst v0  }
0x12: {  	[tilespmem:s23+$0x0] =	vst v0  }
0x13: {  	[tilespmem:s23+$0x10] =	vst v0  }
.Ltmp0:
0x14: {  	[tilespmem:s23+$0x20] =	vst v0;
	(pc) =	sbr.rel @p0 .LBB2_2-.Ltmp0, $4  }
0x15: {  	[tilespmem:s23+$0x30] =	vst v0  }
0x16: {  	[tilespmem:s23+$0x40] =	vst v0  }
0x17: {  	[tilespmem:s23+$0x50] =	vst v0  }
0x18: {  	[tilespmem:s23+$0x60] =	vst v0;
	s23 =	sshra.s32 s24, $0x2;
	s24 =	sadd.s32 $0x200, s24  }
0x19: {  	[tilespmem:s23+$0x70] =	vst v0  }
0x1a: {  	[tilespmem:s23+$0x0] =	vst v0  }
0x1b: {  	[tilespmem:s23+$0x10] =	vst v0  }
0x1c: {  	[tilespmem:s23+$0x20] =	vst v0  }
0x1d: {  	[tilespmem:s23+$0x30] =	vst v0  }
0x1e: {  	[tilespmem:s23+$0x40] =	vst v0  }
0x1f: {  	[tilespmem:s23+$0x50] =	vst v0  }
0x20: {  	[tilespmem:s23+$0x60] =	vst v0;
	s28 =	simm.s32 $0x0  }
0x21: {  	[spmem:s7] =	stream.linear.scatter [tilespmem:s28], [sflag:$0x2], $0x4000, $0x38;
	[tilespmem:$0x18100] =	vst v63  }
0x22: {  	_ =	swait.ge [sflag:s15], $0x4000  }
0x23: {  	[sflag:s15] =	ssyncset.done $0x0  }
0x24: {  	[sflag:s15] =	ssyncadd.s32 $0xFFFFC000  }
0x25: {  	[spmem:s8] =	stream.linear.scatter [tilespmem:s28], [sflag:$0x2], $0x4000, $0x38;
	[tilespmem:$0x18100] =	vst v63  }
0x26: {  	_ =	swait.ge [sflag:s15], $0x4000  }
0x27: {  	[sflag:s15] =	ssyncset.done $0x0  }
0x28: {  	[sflag:s15] =	ssyncadd.s32 $0xFFFFC000  }
0x29: {  	[spmem:s9] =	stream.linear.scatter [tilespmem:s28], [sflag:$0x2], $0x4000, $0x38;
	[tilespmem:$0x18100] =	vst v63  }
0x2a: {  	_ =	swait.ge [sflag:s15], $0x4000  }
0x2b: {  	[sflag:s15] =	ssyncset.done $0x0  }
0x2c: {  	[sflag:s15] =	ssyncadd.s32 $0xFFFFC000  }
0x2d: {  	[spmem:s10] =	stream.linear.scatter [tilespmem:s28], [sflag:$0x2], $0x4000, $0x38;
	[tilespmem:$0x18100] =	vst v63  }
0x2e: {  	_ =	swait.ge [sflag:s15], $0x4000  }
0x2f: {  	[sflag:s15] =	ssyncset.done $0x0  }
0x30: {  	s24 =	sand.u32 $0x3C00, s28;
	[sflag:s15] =	ssyncadd.s32 $0xFFFFC000  }
0x31: {  	[spmem:s11] =	stream.linear.scatter [tilespmem:s28], [sflag:$0x2], $0x4000, $0x38;
	[tilespmem:$0x18100] =	vst v63  }
0x32: {  	s23 =	sand.u32 $0x380, s28;
	s24 =	sadd.s32 s12, s24;
	_ =	swait.ge [sflag:s15], $0x4000  }
0x33: {  	s23 =	sor.u32 s23, s24;
	[sflag:s15] =	ssyncset.done $0x0  }
0x34: {  	s23 =	sshrl.u32 s23, $0x3;
	[sflag:s15] =	ssyncadd.s32 $0xFFFFC000  }
0x35: {  	s29 =	sadd.s32 s5, s23;
	[bflag:$0x0] =	sbarrier.arrive $0xFFFF  }
0x36: {  	[tilespmem:s16], [sflag:$0x2] =	stream.linear.gather [hbm4b:s29+s3], $0x80, $0x38;
	[tilespmem:$0x18100] =	vst v63  }
0x37: {  	_ =	swait.ge [sflag:s15], $0x80  }
0x38: {  	[sflag:s15] =	ssyncset.done $0x0  }
0x39: {  	s23 =	sadd.s32 s6, s23;
	[sflag:s15] =	ssyncadd.s32 $0xFFFFFF80  }
0x3a: {  	[tilespmem:s17], [sflag:$0x2] =	stream.linear.gather [hbm4b:s23+s3], $0x80, $0x38;
	[tilespmem:$0x18100] =	vst v63  }
0x3b: {  	_ =	swait.ge [sflag:s15], $0x80  }
0x3c: {  	[sflag:s15] =	ssyncset.done $0x0  }
0x3d: {  	[sflag:s15] =	ssyncadd.s32 $0xFFFFFF80  }
0x3e: {  	[tilespmem:s3], [sflag:$0x1] =	stream.indirect.gather [hbm4b:s4+s18], $0x80, s16, s18, $0xb8;
	[tilespmem:$0x18100] =	vst v63  }
0x3f: {  	_ =	swait.ge [sflag:s19], $0x4000  }
0x40: {  	s30 =	simm.s32 $0x80;
	[sflag:s19] =	ssyncset.done $0x0  }
0x41: {  	s31 =	sand.u32 $0x3C00, s30;
	[sflag:s19] =	ssyncadd.s32 $0xFFFFC000  }
0x42: {  	[spmem:s1] =	stream.indirect.scatter.add.f32 [tilespmem:s3], [sflag:$0x2], $0x80, s17, s18, $0xb8;
	[tilespmem:$0x18100] =	vst v63  }
0x43: {  	s25 =	sand.u32 $0x380, s30;
	s24 =	sadd.s32 s12, s31;
	_ =	swait.ge [sflag:s15], $0x4000  }
0x44: {  	s24 =	sor.u32 s25, s24;
	s23 =	simm.s32 $0x100;
	[sflag:s15] =	ssyncset.done $0x0  }
.LBB2_4:
0x45: {  	s24 =	sshrl.u32 s24, $0x3  }
0x46: {  	[sflag:s15] =	ssyncadd.s32 $0xFFFFC000;
	s25 =	smov.u32 s23;
	s26 =	sadd.s32 $0x80, s23  }
0x47: {  	p0 =	sne.s32 s23, $0x2700;
	s23 =	sadd.s32 s5, s24  }
0x48: {  	[tilespmem:s16], [sflag:$0x2] =	stream.linear.gather [hbm4b:s23+s3], $0x80, $0x38;
	[tilespmem:$0x18100] =	vst v63  }
0x49: {  	_ =	swait.ge [sflag:s15], $0x80  }
0x4a: {  	[sflag:s15] =	ssyncset.done $0x0  }
0x4b: {  	s23 =	sadd.s32 s6, s24;
	[sflag:s15] =	ssyncadd.s32 $0xFFFFFF80  }
0x4c: {  	[tilespmem:s17], [sflag:$0x2] =	stream.linear.gather [hbm4b:s23+s3], $0x80, $0x38;
	[tilespmem:$0x18100] =	vst v63  }
0x4d: {  	_ =	swait.ge [sflag:s15], $0x80  }
0x4e: {  	[sflag:s15] =	ssyncset.done $0x0  }
0x4f: {  	[sflag:s15] =	ssyncadd.s32 $0xFFFFFF80  }
0x50: {  	[tilespmem:s3], [sflag:$0x1] =	stream.indirect.gather [hbm4b:s4+s18], $0x80, s16, s18, $0xb8;
	[tilespmem:$0x18100] =	vst v63  }
0x51: {  	_ =	swait.ge [sflag:s19], $0x4000  }
.Ltmp1:
0x52: {  	[sflag:s19] =	ssyncset.done $0x0;
	(pc) =	sbr.rel @p0 .LBB2_4-.Ltmp1, $4  }
0x53: {  	s23 =	sand.u32 $0x3C00, s25;
	[sflag:s19] =	ssyncadd.s32 $0xFFFFC000  }
0x54: {  	[spmem:s1] =	stream.indirect.scatter.add.f32 [tilespmem:s3], [sflag:$0x2], $0x80, s17, s18, $0xb8;
	[tilespmem:$0x18100] =	vst v63  }
0x55: {  	s24 =	sand.u32 $0x380, s25;
	s23 =	sadd.s32 s12, s23;
	_ =	swait.ge [sflag:s15], $0x4000  }
0x56: {  	s24 =	sor.u32 s24, s23;
	s23 =	smov.u32 s26;
	[sflag:s15] =	ssyncset.done $0x0  }
0x57: {  	s23 =	sshrl.u32 s24, $0x3  }
0x58: {  	[sflag:s15] =	ssyncadd.s32 $0xFFFFC000;
	s24 =	sadd.s32 s5, s23  }
0x59: {  	[tilespmem:s16], [sflag:$0x2] =	stream.linear.gather [hbm4b:s24+s3], $0x80, $0x38;
	[tilespmem:$0x18100] =	vst v63  }
0x5a: {  	_ =	swait.ge [sflag:s15], $0x80  }
0x5b: {  	[sflag:s15] =	ssyncset.done $0x0  }
0x5c: {  	s23 =	sadd.s32 s6, s23;
	[sflag:s15] =	ssyncadd.s32 $0xFFFFFF80  }
0x5d: {  	[tilespmem:s17], [sflag:$0x2] =	stream.linear.gather [hbm4b:s23+s3], $0x80, $0x38;
	[tilespmem:$0x18100] =	vst v63  }
0x5e: {  	_ =	swait.ge [sflag:s15], $0x80  }
0x5f: {  	[sflag:s15] =	ssyncset.done $0x0  }
0x60: {  	[sflag:s15] =	ssyncadd.s32 $0xFFFFFF80  }
0x61: {  	[tilespmem:s3], [sflag:$0x1] =	stream.indirect.gather [hbm4b:s4+s18], $0x80, s16, s18, $0xb8;
	[tilespmem:$0x18100] =	vst v63  }
0x62: {  	_ =	swait.ge [sflag:s19], $0x4000  }
0x63: {  	[sflag:s19] =	ssyncset.done $0x0  }
0x64: {  	[sflag:s19] =	ssyncadd.s32 $0xFFFFC000  }
0x65: {  	[spmem:s1] =	stream.indirect.scatter.add.f32 [tilespmem:s3], [sflag:$0x2], $0x80, s17, s18, $0xb8;
	[tilespmem:$0x18100] =	vst v63  }
0x66: {  	_ =	swait.ge [sflag:s15], $0x4000  }
0x67: {  	s22 =	sadd.s32 $0x1, s22;
	[sflag:s15] =	ssyncset.done $0x0  }
0x68: {  	p0 =	sne.s32 s22, s14;
	[sflag:s15] =	ssyncadd.s32 $0xFFFFC000  }
.Ltmp2:
0x69: {  	[bflag:$0x0] =	sbarrier.arrive $0xFFFF;
	(pc) =	sbr.rel @p0 .LBB2_1-.Ltmp2, $4  }
0x6a: {  	[hbm:s13], [sflag:s20] =	dma.local [spmem:s21], $0x2800  }
0x6b: {  	_ =	swait.ge [sflag:s15], $0x2800  }
0x6c: {  	[sflag:s15] =	ssyncset.done $0x0  }
0x6d: {  	[sflag:s15] =	ssyncadd.s32 $0xFFFFD800  }
0x6e: {  	_ =	sfence.sel $0x180000  }
0x6f: {  	[bflag:$0x0] =	sbarrier.arrive $0xFFFF  }
0x70: {  	p0 =	sne.s32 s2, $0x0;
	_ =	strace $0x9000004D  }
0x71: {  	s0 =	sadd.s32 @!p0 $0x100000, s0;
	[bflag:$0x2] =	sbarrier.arrive $0xFFFF  }
0x72: {  	[sflag:s0] =	ssyncadd.tile.s32 @!p0 $0x1;
	_ =	shalt  }
.Lfunc_end2:
_tile_overlayer_lowered:
.L_overlay_start_2:
0x73: {  	(tag) =	ssettag $0x2  }
0x74: {  	s0 =	rddreg [dreg:$0x0];
	s2 =	stileid.u32  }
0x75: {  	s1 =	rddreg [dreg:$0x1];
	p0 =	sne.s32 s2, $0x0  }
0x76: {  	s3 =	rddreg [dreg:$0x2];
	[bflag:$0x3] =	sbarrier.arrive $0xFFFF;
	s2 =	simm.s32 @!p0 $0x1C02  }
0x77: {  	[timem:s3], [sflag:s2] =	dma.local @!p0 [hbm:s0], s1  }
0x78: {  	s0 =	simm.s32 @!p0 $0x2  }
0x79: {  	_ =	swait.ge @!p0 [sflag:s0], s1  }
0x7a: {  	s1 =	ssub.s32 @!p0 $0x0, s1;
	[sflag:s0] =	ssyncset.done @!p0 $0x0  }
0x7b: {  	[sflag:s0] =	ssyncadd.s32 @!p0 s1  }
0x7c: {  	[bflag:$0x3] =	sbarrier.arrive $0xFFFF  }
0x7d: {  	_ =	shalt  }

// kernel: kernel.8.cloned.1.call-start
scs
__scs_entry_jumppad:
0x0: {  	(pc) =	sbr.rel $0x88, $3  }
0x1: {  	(tag) =	ssettag $0x0;
	lr =	simm.s32 $0x1  }
0x2: {  	[smem:$0x3F99] =	sst lr;
	_ =	strace $0xD0000000  }
0x3: {  	_ = 	snop  }
0x4: {  	_ = 	snop  }
0x5: {  	_ = 	snop  }
0x6: {  	_ = 	snop  }
0x7: {  	_ = 	snop  }
__scs_overlays_trampoline_lowered:
0x8: {  	[smem:$0x3FA8] =	sst s0  }
0x9: {  	[smem:$0x3FA9] =	sst s1  }
0xa: {  	[smem:$0x3FAA] =	sst s2  }
0xb: {  	[smem:$0x3FAB] =	sst s3  }
0xc: {  	[smem:$0x3FAC] =	sst s4  }
0xd: {  	[smem:$0x3FAD] =	sst s5  }
0xe: {  	[smem:$0x3FAE] =	sst s6  }
0xf: {  	[smem:$0x3FAF] =	sst s7  }
0x10: {  	[smem:$0x3FB0] =	sst s8  }
0x11: {  	[smem:$0x3FB1] =	sst s9;
	s0 =	simm.s32 @!p0 $0x0  }
0x12: {  	s1 =	sld [smem:$0x3F97];
	s0 =	simm.s32 @p0 $0x1  }
0x13: {  	[smem:$0x3FB2] =	sst s0;
	s0 =	simm.s32 @!p1 $0x0  }
0x14: {  	s2 =	sld [smem:$0x3F96];
	s0 =	simm.s32 @p1 $0x1  }
0x15: {  	[smem:$0x3FB3] =	sst s0;
	s0 =	simm.s32 @!p2 $0x0  }
0x16: {  	s3 =	sld [smem:$0x3FDB];
	s0 =	simm.s32 @p2 $0x1  }
0x17: {  	s4 =	simm.s32 $0x1BF5;
	[smem:$0x3FB5] =	sst s0  }
0x18: {  	s0 =	sld [smem:$0x3F98];
	_ =	swait.ge [sflag:s4], $0x0  }
0x19: {  	s7 =	sld [smem:$0x3F99]  }
0x1a: {  	s8 =	sadd.s32 $0xFFFFE003, lr  }
0x1b: {  	s9 =	sadd.s32 $0xFFFFFEF7, lr;
	s5 =	simm.s32 $0xFFFFFFFF;
	p2 =	slt.u32 s8, $0xFFFFF086  }
0x1c: {  	p1 =	slt.u32 s9, $0xF7A;
	s5 =	simm.s32 @!p2 $0x0  }
0x1d: {  	s5 =	simm.s32 @p1 $0x1;
	p0 =	seq.s32 s7, s2  }
0x1e: {  	s7 =	smul.u32 @!p0 $0xF7A, s2;
	p2 =	seq.s32 @!p0 s5, $0x0  }
0x1f: {  	s9 =	smul.u32 $0xF7A, s1;
	s8 =	simm.s32 @!p0 $0x1BF5;
	p2 =	por !p2, p0  }
0x20: {  	[sflag:s8] =	ssyncset.s32 @!p0 $0xFFFFF086;
	s6 =	sadd.s32 @!p0 s3, s7;
	s7 =	simm.s32 @!p0 $0x108  }
0x21: {  	s3 =	sadd.s32 s3, s9;
	s6 =	sadd.s32 @!p0 $0x88, s6;
	s7 =	simm.s32 @p2 $0x1082  }
0x22: {  	[simem:s7], [sflag:s8] =	dma.local @!p0 [hbm:s6], $0xF7A  }
0x23: {  	s9 =	sor.u32 $0xD0000000, s2;
	s6 =	simm.s32 $0x108;
	_ =	swait.ge @!p0 [sflag:s8], $0x0  }
0x24: {  	s3 =	sadd.s32 $0x88, s3;
	s6 =	simm.s32 @!p1 $0x1082;
	[sflag:s4] =	ssyncset.s32 $0xFFFFF086  }
0x25: {  	[simem:s6], [sflag:s4] =	dma.local [hbm:s3], $0xF7A  }
0x26: {  	[smem:$0x3F99] =	sst s1;
	(tag) =	ssettag s2;
	_ =	strace s9  }
0x27: {  	s1 =	sld [smem:$0x3FA9]  }
0x28: {  	s2 =	sld [smem:$0x3FAA]  }
0x29: {  	s4 =	sld [smem:$0x3FAC]  }
0x2a: {  	p0 =	seq.s32 s5, $0x0;
	s5 =	sld [smem:$0x3FAD]  }
0x2b: {  	s6 =	sld [smem:$0x3FAE]  }
0x2c: {  	s7 =	sld [smem:$0x3FAF]  }
0x2d: {  	s3 =	simm.s32 $0x108;
	s8 =	sld [smem:$0x3FB0]  }
0x2e: {  	s3 =	simm.s32 @!p0 $0x1082;
	s9 =	sld [smem:$0x3FB1]  }
0x2f: {  	lr =	sadd.s32 s0, s3;
	s0 =	sld [smem:$0x3FA8]  }
0x30: {  	s3 =	sld [smem:$0x3FAB]  }
0x31: {  	[smem:$0x3FB4] =	sst s10  }
0x32: {  	s10 =	sld [smem:$0x3FB2];
	_ =	sdelay $0x3  }
0x33: {  	p0 =	seq.s32 s10, $0x1;
	s10 =	sld [smem:$0x3FB4];
	_ =	sdelay $0x3  }
0x34: {  	[smem:$0x3FB4] =	sst s10  }
0x35: {  	s10 =	sld [smem:$0x3FB3];
	_ =	sdelay $0x3  }
0x36: {  	p1 =	seq.s32 s10, $0x1;
	s10 =	sld [smem:$0x3FB4];
	_ =	sdelay $0x3  }
0x37: {  	[smem:$0x3FB4] =	sst s10  }
0x38: {  	s10 =	sld [smem:$0x3FB5]  }
0x39: {  	_ = 	snop;
	(pc) =	sbr.ind lr, $3  }
0x3a: {  	_ = 	snop  }
0x3b: {  	_ = 	snop  }
0x3c: {  	p2 =	seq.s32 s10, $0x1;
	s10 =	sld [smem:$0x3FB4]  }
0x3d: {  	_ =	shalt  }
0x3e: {  	_ =	shalt  }
0x3f: {  	_ =	shalt  }
0x40: {  	_ =	shalt  }
0x41: {  	_ =	shalt  }
0x42: {  	_ =	shalt  }
0x43: {  	_ =	shalt  }
0x44: {  	_ =	shalt  }
0x45: {  	_ =	shalt  }
0x46: {  	_ =	shalt  }
0x47: {  	_ =	shalt  }
0x48: {  	_ =	shalt  }
0x49: {  	_ =	shalt  }
0x4a: {  	_ =	shalt  }
0x4b: {  	_ =	shalt  }
0x4c: {  	_ =	shalt  }
0x4d: {  	_ =	shalt  }
0x4e: {  	_ =	shalt  }
0x4f: {  	_ =	shalt  }
0x50: {  	_ =	shalt  }
0x51: {  	_ =	shalt  }
0x52: {  	_ =	shalt  }
0x53: {  	_ =	shalt  }
0x54: {  	_ =	shalt  }
0x55: {  	_ =	shalt  }
0x56: {  	_ =	shalt  }
0x57: {  	_ =	shalt  }
0x58: {  	_ =	shalt  }
0x59: {  	_ =	shalt  }
0x5a: {  	_ =	shalt  }
0x5b: {  	_ =	shalt  }
0x5c: {  	_ =	shalt  }
0x5d: {  	_ =	shalt  }
0x5e: {  	_ =	shalt  }
0x5f: {  	_ =	shalt  }
0x60: {  	_ =	shalt  }
0x61: {  	_ =	shalt  }
0x62: {  	_ =	shalt  }
0x63: {  	_ =	shalt  }
0x64: {  	_ =	shalt  }
0x65: {  	_ =	shalt  }
0x66: {  	_ =	shalt  }
0x67: {  	_ =	shalt  }
0x68: {  	_ =	shalt  }
0x69: {  	_ =	shalt  }
0x6a: {  	_ =	shalt  }
0x6b: {  	_ =	shalt  }
0x6c: {  	_ =	shalt  }
0x6d: {  	_ =	shalt  }
0x6e: {  	_ =	shalt  }
0x6f: {  	_ =	shalt  }
0x70: {  	_ =	shalt  }
0x71: {  	_ =	shalt  }
0x72: {  	_ =	shalt  }
0x73: {  	_ =	shalt  }
0x74: {  	_ =	shalt  }
0x75: {  	_ =	shalt  }
0x76: {  	_ =	shalt  }
0x77: {  	_ =	shalt  }
0x78: {  	_ =	shalt  }
0x79: {  	_ =	shalt  }
0x7a: {  	_ =	shalt  }
0x7b: {  	_ =	shalt  }
0x7c: {  	_ =	shalt  }
0x7d: {  	_ =	shalt  }
0x7e: {  	_ =	shalt  }
0x7f: {  	_ =	shalt  }
0x80: {  	_ =	shalt  }
0x81: {  	_ =	shalt  }
0x82: {  	_ =	shalt  }
0x83: {  	_ =	shalt  }
0x84: {  	_ =	shalt  }
0x85: {  	_ =	shalt  }
0x86: {  	_ =	shalt  }
0x87: {  	_ =	shalt  }
.Lfunc_end0:
.L_simem_size_0:
called_computation_lowered:
.L_overlay_start_0:
0x88: {  	s2 =	sld [smem:$0x3FD9]  }
0x89: {  	s3 =	sld [smem:$0x3FFE];
	_ =	sdelay $0x1  }
0x8a: {  	s1 =	srdreg.scid  }
0x8b: {  	s0 =	sand.u32 $0x1, s1  }
0x8c: {  	s16 =	sshll.u32 s0, $0xA;
	s2 =	sadd.s32 s3, s2  }
0x8d: {  	s2 =	sadd.s32 s2, s16  }
0x8e: {  	[smem:$0x3FC0] =	sst s2  }
0x8f: {  	_ = 	snop  }
0x90: {  	(tm) =	ssettm $0x1  }
0x91: {  	s17 =	sld [smem:$0x3FFB];
	_ =	sdelay $0x3  }
0x92: {  	_ =	strace s17  }
0x93: {  	s2 =	sld [smem:$0x3FFC];
	_ =	sdelay $0x3  }
0x94: {  	_ =	strace s2  }
0x95: {  	s2 =	sld [smem:$0x3FFD];
	_ =	sdelay $0x3  }
0x96: {  	_ =	strace s2  }
0x97: {  	_ =	strace $0x8FFFFFFF  }
0x98: {  	s18 =	sld [smem:$0x3FDB];
	_ =	sdelay $0x1  }
0x99: {  	s19 =	simm.s32 $_scs_section_size  }
0x9a: {  	s4 =	simm.s32 $_size__tile_overlayer_lowered;
	s5 =	simm.s32 $_tile_overlayer_lowered  }
0x9b: {  	s22 =	simm.s32 $0x1BFF;
	s21 =	sshll.u32 s5, $0x1;
	s2 =	sadd.s32 s19, s18  }
0x9c: {  	s6 =	simm.s32 $0x0;
	s20 =	sshll.u32 s4, $0x1;
	s4 =	sadd.s32 s21, s2  }
0x9d: {  	[timem:s6], [sflag:s22] =	dma.local [hbm:s4], s20  }
0x9e: {  	_ =	swait.ge [sflag:s22], s20  }
0x9f: {  	s3 =	ssub.s32 $0x0, s20;
	[sflag:s22] =	ssyncset.done $0x0  }
0xa0: {  	[sflag:s22] =	ssyncadd.s32 s3;
	_ =	sdelay $0x1  }
0xa1: {  	s23 =	simm.s32 $0x1B8B  }
0xa2: {  	_ =	swait.ge [sflag:s23], $0x1  }
0xa3: {  	[sflag:s23] =	ssyncset.done $0x0  }
0xa4: {  	s25 =	simm.s32 $0x1B8E;
	s24 =	sld [smem:$0x3FFE];
	[sflag:s23] =	ssyncadd.s32 $0xFFFFFFFF  }
0xa5: {  	s26 =	simm.s32 $execute0_lowered;
	[smem:$0x3FD2] =	sst s25  }
0xa6: {  	s4 =	sshll.u32 s26, $0x1;
	_ =	strace $0x80000046;
	[dreg:$0x1] =	wrdreg $0xFFFFFFFF  }
0xa7: {  	s28 =	simm.s32 $_size_execute0_lowered;
	s2 =	sadd.s32 s2, s4;
	[dreg:$0x0] =	wrdreg $0x0  }
0xa8: {  	s4 =	sshll.u32 s28, $0x1;
	[dreg:$0x2] =	wrdreg s2  }
0xa9: {  	[dreg:$0x3] =	wrdreg s4  }
0xaa: {  	[dreg:$0x4] =	wrdreg $0xC0  }
0xab: {  	_ =	task [dreg:s6], $0x5FFFF  }
0xac: {  	[dreg:$0x1] =	wrdreg $0xFFFFFFFF  }
0xad: {  	[dreg:$0x0] =	wrdreg $0x60  }
0xae: {  	[dreg:$0x2] =	wrdreg s24  }
0xaf: {  	[dreg:$0x3] =	wrdreg $0x40800  }
0xb0: {  	[dreg:$0x4] =	wrdreg $0x9  }
0xb1: {  	_ =	task.clear_ibuf [dreg:s6], $0x5FFFF;
	_ =	strace $0x90000046  }
0xb2: {  	s29 =	simm.s32 $0x9;
	_ =	strace $0x80000048  }
0xb3: {  	_ =	swait.ge [sflag:s29], $0x1  }
0xb4: {  	[sflag:s29] =	ssyncadd.s32 $0xFFFFFFFF  }
0xb5: {  	_ =	strace $0x90000048  }
0xb6: {  	_ =	sfence  }
0xb7: {  	s30 =	sld [smem:$0x0];
	_ =	sdelay $0x2  }
0xb8: {  	s31 =	sshll.u32 s1, $0xD;
	s1 =	sshrl.u32 s1, $0x2  }
0xb9: {  	s3 =	sand.u32 $0x4000, s31;
	s1 =	sadd.s32 s1, s30  }
0xba: {  	s0 =	sor.u32 s3, s0;
	s1 =	sshll.u32 s1, $0x11  }
0xbb: {  	s0 =	sor.u32 s1, s0  }
0xbc: {  	s0 =	sadd.s32 $0x8F2B, s0  }
0xbd: {  	[sflag:s0] =	ssyncadd.remote.s32 $0x1  }
0xbe: {  	_ =	sfence.sel $0xFFFF  }
0xbf: {  	[dreg:$0x0] =	wrdreg $0xFFFFFFFF;
	(pc) =	sbr.abs _section_cstart, $3  }
0xc0: {  	[dreg:$0x1] =	wrdreg $0xFFFFFFFF  }
0xc1: {  	_ =	task.clear_ibuf [dreg:s6], $0x2FFFF;
	_ =	strace $0x9FFFFFFF  }
0xc2: {  	(tm) =	ssettm $0x7FFFFFFF  }
0xc3: {  	_ =	shalt  }
tec
execute0_lowered:
.L_overlay_start_1:
0x0: {  	(tag) =	ssettag $0x1  }
0x1: {  	s5 =	rddreg [dreg:$0x0];
	s0 =	srdreg.scid  }
0x2: {  	s2 =	rddreg [dreg:$0x1];
	s1 =	stileid.u32  }
0x3: {  	s3 =	simm.s32 $0x0;
	s13 =	simm.s32 $0x1;
	s14 =	simm.s32 $0x4000  }
0x4: {  	s15 =	simm.s32 $0x80;
	s6 =	sand.u32 $0x1, s0;
	s0 =	rddreg [dreg:$0x2]  }
0x5: {  	s18 =	simm.s32 $0x0;
	s7 =	smul.u32 $0x14000, s1;
	[smem:$0x7FF] =	sst s3  }
0x6: {  	s8 =	smul.u32 $0x50000, s1;
	s31 =	sshll.u32 s1, $0x1;
	s16 =	sshll.u32 s1, $0x6  }
0x7: {  	s4 =	smul.u32 $0x140000, s6;
	_ =	strace $0x80000047;
	s9 =	ssub.s32 $0x2, s6  }
0x8: {  	s10 =	sor.u32 s6, s31;
	s16 =	sor.u32 $0x1C01, s16;
	s29 =	sshrl.u32 s9, $0x1  }
0x9: {  	s30 =	sshrl.u32 s8, $0x2;
	s10 =	smul.u32 $0x2800, s10;
	s7 =	sadd.s32 s7, s4  }
0xa: {  	s4 =	sadd.s32 $0x2400, s5;
	s12 =	ssub.s32 s9, s29;
	s7 =	sshrl.u32 s7, $0x3  }
0xb: {  	s12 =	smax.u32 s12, $0x1;
	s11 =	sadd.s32 s7, s5;
	s5 =	sadd.s32 s30, s2  }
0xc: {  	s6 =	sadd.s32 $0x4000, s5;
	s7 =	sadd.s32 $0x8000, s5;
	s8 =	sadd.s32 $0xC000, s5  }
0xd: {  	v0 =	vimm.f32 $0.0e+00;
	v1 =	vimm.f32 $1.000000000e+00;
	s9 =	sadd.s32 $0x10000, s5;
	s11 =	sadd.s32 $0xC400, s11;
	s17 =	sshrl.u32 s5, $0x3  }
.LBB2_1:
0xe: {  	s19 =	simm.s32 $0x0;
	s20 =	simm.s32 $0x200  }
.LBB2_2:
0xf: {  	p0 =	sne.s32 s20, $0xFE00;
	[tilespmem:s19+$0x70] =	vst v0  }
0x10: {  	[tilespmem:s19+$0x0] =	vst v0  }
0x11: {  	[tilespmem:s19+$0x10] =	vst v0  }
.Ltmp0:
0x12: {  	[tilespmem:s19+$0x20] =	vst v0;
	(pc) =	sbr.rel @p0 .LBB2_2-.Ltmp0, $4  }
0x13: {  	[tilespmem:s19+$0x30] =	vst v0  }
0x14: {  	[tilespmem:s19+$0x40] =	vst v0  }
0x15: {  	[tilespmem:s19+$0x50] =	vst v0  }
0x16: {  	[tilespmem:s19+$0x60] =	vst v0;
	s19 =	sshra.s32 s20, $0x2;
	s20 =	sadd.s32 $0x200, s20  }
0x17: {  	[tilespmem:s19+$0x70] =	vst v0  }
0x18: {  	[tilespmem:s19+$0x0] =	vst v0  }
0x19: {  	[tilespmem:s19+$0x10] =	vst v0  }
0x1a: {  	[tilespmem:s19+$0x20] =	vst v0  }
0x1b: {  	[tilespmem:s19+$0x30] =	vst v0  }
0x1c: {  	[tilespmem:s19+$0x40] =	vst v0  }
0x1d: {  	[tilespmem:s19+$0x50] =	vst v0  }
0x1e: {  	[tilespmem:s19+$0x60] =	vst v0;
	s19 =	simm.s32 $0x0  }
0x1f: {  	[spmem:s5] =	stream.linear.scatter [tilespmem:s19], [sflag:$0x1], $0x4000, $0x38;
	[tilespmem:$0x18080] =	vst v63  }
0x20: {  	_ =	swait.ge [sflag:s13], $0x4000  }
0x21: {  	[sflag:s13] =	ssyncset.done $0x0  }
0x22: {  	[sflag:s13] =	ssyncadd.s32 $0xFFFFC000  }
0x23: {  	[spmem:s6] =	stream.linear.scatter [tilespmem:s19], [sflag:$0x1], $0x4000, $0x38;
	[tilespmem:$0x18080] =	vst v63  }
0x24: {  	_ =	swait.ge [sflag:s13], $0x4000  }
0x25: {  	[sflag:s13] =	ssyncset.done $0x0  }
0x26: {  	[sflag:s13] =	ssyncadd.s32 $0xFFFFC000  }
0x27: {  	[spmem:s7] =	stream.linear.scatter [tilespmem:s19], [sflag:$0x1], $0x4000, $0x38;
	[tilespmem:$0x18080] =	vst v63  }
0x28: {  	_ =	swait.ge [sflag:s13], $0x4000  }
0x29: {  	[sflag:s13] =	ssyncset.done $0x0  }
0x2a: {  	[sflag:s13] =	ssyncadd.s32 $0xFFFFC000  }
0x2b: {  	[spmem:s8] =	stream.linear.scatter [tilespmem:s19], [sflag:$0x1], $0x4000, $0x38;
	[tilespmem:$0x18080] =	vst v63  }
0x2c: {  	_ =	swait.ge [sflag:s13], $0x4000  }
0x2d: {  	[sflag:s13] =	ssyncset.done $0x0  }
0x2e: {  	[sflag:s13] =	ssyncadd.s32 $0xFFFFC000  }
0x2f: {  	[spmem:s9] =	stream.linear.scatter [tilespmem:s19], [sflag:$0x1], $0x4000, $0x38;
	[tilespmem:$0x18080] =	vst v63  }
0x30: {  	_ =	swait.ge [sflag:s13], $0x4000  }
0x31: {  	[sflag:s13] =	ssyncset.done $0x0  }
0x32: {  	[sflag:s13] =	ssyncadd.s32 $0xFFFFC000  }
0x33: {  	s20 =	simm.s32 $0x0;
	s21 =	simm.s32 $0x200;
	[bflag:$0x0] =	sbarrier.arrive $0xFFFF  }
.LBB2_4:
0x34: {  	p0 =	sne.s32 s21, $0xFE00;
	[tilespmem:s20+$0x70] =	vst v1  }
0x35: {  	[tilespmem:s20+$0x0] =	vst v1  }
0x36: {  	[tilespmem:s20+$0x10] =	vst v1  }
.Ltmp1:
0x37: {  	[tilespmem:s20+$0x20] =	vst v1;
	(pc) =	sbr.rel @p0 .LBB2_4-.Ltmp1, $4  }
0x38: {  	[tilespmem:s20+$0x30] =	vst v1  }
0x39: {  	[tilespmem:s20+$0x40] =	vst v1  }
0x3a: {  	[tilespmem:s20+$0x50] =	vst v1  }
0x3b: {  	[tilespmem:s20+$0x60] =	vst v1;
	s20 =	sshra.s32 s21, $0x2;
	s21 =	sadd.s32 $0x200, s21  }
0x3c: {  	[tilespmem:s20+$0x70] =	vst v1  }
0x3d: {  	[tilespmem:s20+$0x0] =	vst v1  }
0x3e: {  	[tilespmem:s20+$0x10] =	vst v1  }
0x3f: {  	[tilespmem:s20+$0x20] =	vst v1;
	s21 =	sand.u32 $0x3C00, s19  }
0x40: {  	[tilespmem:s20+$0x30] =	vst v1;
	s28 =	sand.u32 $0x380, s19;
	s21 =	sadd.s32 s10, s21  }
0x41: {  	[tilespmem:s20+$0x40] =	vst v1;
	s19 =	sor.u32 s28, s21  }
0x42: {  	[tilespmem:s20+$0x50] =	vst v1;
	s19 =	sshrl.u32 s19, $0x3  }
0x43: {  	[tilespmem:s20+$0x60] =	vst v1;
	s19 =	sadd.s32 s4, s19  }
0x44: {  	[tilespmem:s14], [sflag:$0x1] =	stream.linear.gather [hbm4b:s19+s3], $0x80, $0x38;
	[tilespmem:$0x18080] =	vst v63  }
0x45: {  	_ =	swait.ge [sflag:s13], $0x80  }
0x46: {  	s29 =	simm.s32 $0x80;
	[sflag:s13] =	ssyncset.done $0x0  }
0x47: {  	s30 =	sand.u32 $0x3C00, s29;
	[sflag:s13] =	ssyncadd.s32 $0xFFFFFF80  }
0x48: {  	[spmem:s2] =	stream.indirect.scatter.add.f32 [tilespmem:s3], [sflag:$0x1], $0x80, s14, s15, $0xb8;
	[tilespmem:$0x18080] =	vst v63  }
0x49: {  	s31 =	sand.u32 $0x380, s29;
	s20 =	sadd.s32 s10, s30;
	_ =	swait.ge [sflag:s13], $0x4000  }
0x4a: {  	s20 =	sor.u32 s31, s20;
	s19 =	simm.s32 $0x100;
	[sflag:s13] =	ssyncset.done $0x0  }
.LBB2_6:
0x4b: {  	s20 =	sshrl.u32 s20, $0x3  }
0x4c: {  	[sflag:s13] =	ssyncadd.s32 $0xFFFFC000;
	s21 =	smov.u32 s19;
	s22 =	sadd.s32 $0x80, s19  }
0x4d: {  	p0 =	sne.s32 s19, $0x2700;
	s19 =	sadd.s32 s4, s20  }
0x4e: {  	[tilespmem:s14], [sflag:$0x1] =	stream.linear.gather [hbm4b:s19+s3], $0x80, $0x38;
	[tilespmem:$0x18080] =	vst v63  }
0x4f: {  	_ =	swait.ge [sflag:s13], $0x80  }
.Ltmp2:
0x50: {  	[sflag:s13] =	ssyncset.done $0x0;
	(pc) =	sbr.rel @p0 .LBB2_6-.Ltmp2, $4  }
0x51: {  	s19 =	sand.u32 $0x3C00, s21;
	[sflag:s13] =	ssyncadd.s32 $0xFFFFFF80  }
0x52: {  	[spmem:s2] =	stream.indirect.scatter.add.f32 [tilespmem:s3], [sflag:$0x1], $0x80, s14, s15, $0xb8;
	[tilespmem:$0x18080] =	vst v63  }
0x53: {  	s20 =	sand.u32 $0x380, s21;
	s19 =	sadd.s32 s10, s19;
	_ =	swait.ge [sflag:s13], $0x4000  }
0x54: {  	s20 =	sor.u32 s20, s19;
	s19 =	smov.u32 s22;
	[sflag:s13] =	ssyncset.done $0x0  }
0x55: {  	s19 =	sshrl.u32 s20, $0x3  }
0x56: {  	[sflag:s13] =	ssyncadd.s32 $0xFFFFC000;
	s19 =	sadd.s32 s4, s19  }
0x57: {  	[tilespmem:s14], [sflag:$0x1] =	stream.linear.gather [hbm4b:s19+s3], $0x80, $0x38;
	[tilespmem:$0x18080] =	vst v63  }
0x58: {  	_ =	swait.ge [sflag:s13], $0x80  }
0x59: {  	[sflag:s13] =	ssyncset.done $0x0  }
0x5a: {  	[sflag:s13] =	ssyncadd.s32 $0xFFFFFF80  }
0x5b: {  	[spmem:s2] =	stream.indirect.scatter.add.f32 [tilespmem:s3], [sflag:$0x1], $0x80, s14, s15, $0xb8;
	[tilespmem:$0x18080] =	vst v63  }
0x5c: {  	_ =	swait.ge [sflag:s13], $0x4000  }
0x5d: {  	s18 =	sadd.s32 $0x1, s18;
	[sflag:s13] =	ssyncset.done $0x0  }
0x5e: {  	p0 =	sne.s32 s18, s12;
	[sflag:s13] =	ssyncadd.s32 $0xFFFFC000  }
.Ltmp3:
0x5f: {  	[bflag:$0x0] =	sbarrier.arrive $0xFFFF;
	(pc) =	sbr.rel @p0 .LBB2_1-.Ltmp3, $4  }
0x60: {  	[hbm:s11], [sflag:s16] =	dma.local [spmem:s17], $0x2800  }
0x61: {  	_ =	swait.ge [sflag:s13], $0x2800  }
0x62: {  	[sflag:s13] =	ssyncset.done $0x0  }
0x63: {  	[sflag:s13] =	ssyncadd.s32 $0xFFFFD800  }
0x64: {  	_ =	sfence.sel $0x180000  }
0x65: {  	[bflag:$0x0] =	sbarrier.arrive $0xFFFF  }
0x66: {  	p0 =	sne.s32 s1, $0x0;
	_ =	strace $0x90000047  }
0x67: {  	s0 =	sadd.s32 @!p0 $0x100000, s0;
	[bflag:$0x2] =	sbarrier.arrive $0xFFFF  }
0x68: {  	[sflag:s0] =	ssyncadd.tile.s32 @!p0 $0x1;
	_ =	shalt  }
.Lfunc_end2:
_tile_overlayer_lowered:
.L_overlay_start_2:
0x69: {  	(tag) =	ssettag $0x2  }
0x6a: {  	s0 =	rddreg [dreg:$0x0];
	s2 =	stileid.u32  }
0x6b: {  	s1 =	rddreg [dreg:$0x1];
	p0 =	sne.s32 s2, $0x0  }
0x6c: {  	s3 =	rddreg [dreg:$0x2];
	[bflag:$0x3] =	sbarrier.arrive $0xFFFF;
	s2 =	simm.s32 @!p0 $0x1C01  }
0x6d: {  	[timem:s3], [sflag:s2] =	dma.local @!p0 [hbm:s0], s1  }
0x6e: {  	s0 =	simm.s32 @!p0 $0x1  }
0x6f: {  	_ =	swait.ge @!p0 [sflag:s0], s1  }
0x70: {  	s1 =	ssub.s32 @!p0 $0x0, s1;
	[sflag:s0] =	ssyncset.done @!p0 $0x0  }
0x71: {  	[sflag:s0] =	ssyncadd.s32 @!p0 s1  }
0x72: {  	[bflag:$0x3] =	sbarrier.arrive $0xFFFF  }
0x73: {  	_ =	shalt  }

</sc_bundles>
